<compile_context>
chip_gen: v7x
topology: tpu7x:2x2x1
jax: 0.10.2.dev20260603
libtpu: 0.0.44.dev20260713+nightly
codegen_flags: <defaults>
</compile_context>

<pallas_src>
import jax
import jax.numpy as jnp
from jax import lax
from jax.experimental import pallas as pl
from jax.experimental.pallas import tpu as pltpu
from jax.experimental.pallas import tpu_sc as plsc

E = 8
TOPK = 2
D = 1024
F = 2816
T = 2048
BLK = 128
NB = T * TOPK // BLK + E
P = NB * BLK
FC = 2
F2 = F // FC

NC, NS = 2, 16
NW = NC * NS
TPW = T // NW


def _router_body(x_ref, gw_ref, logits_ref, pos_ref, wrep_ref, meta_ref):
    x = x_ref[...]
    gw = gw_ref[...]
    logits = jnp.dot(x, gw, preferred_element_type=jnp.float32)
    logits_ref[...] = logits

    lane = lax.broadcasted_iota(jnp.int32, (T, E), 1)
    neg = jnp.float32(-1e30)
    m1 = jnp.max(logits, axis=1, keepdims=True)
    i1 = jnp.min(jnp.where(logits == m1, lane, E), axis=1, keepdims=True)
    sel1 = lane == i1
    l2 = jnp.where(sel1, neg, logits)
    m2 = jnp.max(l2, axis=1, keepdims=True)
    i2 = jnp.min(jnp.where(l2 == m2, lane, E), axis=1, keepdims=True)
    sel2 = lane == i2

    wA = 1.0 / (1.0 + jnp.exp(m2 - m1))
    wB = 1.0 - wA

    m = sel1.astype(jnp.float32) + sel2.astype(jnp.float32)
    inc = m
    sh = 1
    while sh < T:
        inc = inc + jnp.concatenate(
            [jnp.zeros((sh, E), jnp.float32), inc[: T - sh, :]], axis=0)
        sh *= 2
    s_excl = inc - m
    counts = inc[T - 1: T, :]
    pc = jnp.ceil(counts / BLK) * BLK

    ii = lax.broadcasted_iota(jnp.int32, (E, E), 0)
    jj = lax.broadcasted_iota(jnp.int32, (E, E), 1)
    triu = (ii < jj).astype(jnp.float32)
    goff_row = jnp.dot(pc, triu, preferred_element_type=jnp.float32)

    dest = goff_row + s_excl
    pos0 = jnp.sum(jnp.where(sel1, dest, 0.0), axis=1, keepdims=True)
    pos1 = jnp.sum(jnp.where(sel2, dest, 0.0), axis=1, keepdims=True)
    pos_ref[...] = jnp.where(
        lane == 0, pos0, jnp.where(lane == 1, pos1, 0.0)).astype(jnp.int32)

    lane256 = lax.broadcasted_iota(jnp.int32, (T, 256), 1)
    wrep_ref[...] = jnp.where(lane256 < 128, wA, wB)

    eye = (ii == jj).astype(jnp.float32)
    pc_col = jnp.sum(jnp.dot(jnp.ones((E, 1), jnp.float32), pc,
                             preferred_element_type=jnp.float32) * eye,
                     axis=1, keepdims=True)
    tril = (jj < ii).astype(jnp.float32)
    goff_col = jnp.dot(tril, pc_col, preferred_element_type=jnp.float32)
    bstart = (lax.broadcasted_iota(jnp.int32, (E, 64), 1) * BLK
              ).astype(jnp.float32)
    cnt = jnp.sum((goff_col <= bstart).astype(jnp.float32), axis=0,
                  keepdims=True)
    be = jnp.maximum(cnt - 1.0, 0.0)

    lane64 = lax.broadcasted_iota(jnp.int32, (1, 64), 1)
    be_prev = jnp.concatenate([jnp.full((1, 1), -1.0, jnp.float32),
                               be[:, :63]], axis=1)
    newe_row = (be != be_prev).astype(jnp.float32)
    i64 = lax.broadcasted_iota(jnp.int32, (64, 64), 0)
    j64 = lax.broadcasted_iota(jnp.int32, (64, 64), 1)
    j64f = j64.astype(jnp.float32)
    ones64 = jnp.ones((64, 1), jnp.float32)
    tmat = jnp.dot(ones64, newe_row,
                   preferred_element_type=jnp.float32) * (j64 > i64)
    jidx = jnp.min(jnp.where(tmat > 0, j64f, 1e9), axis=1, keepdims=True)
    wrap_col = (jidx > 63.5).astype(jnp.float32)
    be_mat = jnp.dot(ones64, be, preferred_element_type=jnp.float32)
    oh = (j64f == jidx).astype(jnp.float32)
    nxe_col = jnp.sum(oh * be_mat, axis=1, keepdims=True)
    be0 = jnp.sum(jnp.where(lane64 == 0, be, 0.0), axis=1, keepdims=True)
    nxe_col = jnp.where(wrap_col > 0, be0, nxe_col)
    eye64 = (i64 == j64).astype(jnp.float32)
    nxe_row = jnp.sum(nxe_col * eye64, axis=0, keepdims=True)
    wrap_row = jnp.sum(wrap_col * eye64, axis=0, keepdims=True)
    totp = jnp.sum(pc, axis=1, keepdims=True)
    bstart_row = (lane64 * BLK).astype(jnp.float32)
    valid_row = (bstart_row < totp).astype(jnp.float32)
    row8 = lax.broadcasted_iota(jnp.int32, (E, 64), 0)
    meta = jnp.where(
        row8 == 0, be,
        jnp.where(row8 == 1, newe_row,
                  jnp.where(row8 == 2, nxe_row,
                            jnp.where(row8 == 3, wrap_row,
                                      jnp.where(row8 == 4, valid_row, 0.0)))))
    meta_ref[...] = meta.astype(jnp.int32)


def _router(x, gate_w):
    return pl.pallas_call(
        _router_body,
        out_shape=(
            jax.ShapeDtypeStruct((T, E), jnp.float32),
            jax.ShapeDtypeStruct((T, E), jnp.int32),
            jax.ShapeDtypeStruct((T, 256), jnp.float32),
            jax.ShapeDtypeStruct((E, 64), jnp.int32),
        ),
    )(x, gate_w)


def _dispatch_body(x_hbm, p0_hbm, p1_hbm, w0_hbm, w1_hbm,
                   xs_hbm, ws_hbm,
                   xbuf, w0buf, w1buf, p0v, p1v, sem0, sem1, sem2, sem3):
    w = lax.axis_index("s") * NC + lax.axis_index("c")
    pltpu.sync_copy(x_hbm.at[pl.ds(w * TPW, TPW)], xbuf)
    pltpu.sync_copy(w0_hbm.at[pl.ds(w * TPW, TPW)], w0buf)
    pltpu.sync_copy(w1_hbm.at[pl.ds(w * TPW, TPW)], w1buf)
    pltpu.sync_copy(p0_hbm.at[pl.ds(w, 1)], p0v)
    pltpu.sync_copy(p1_hbm.at[pl.ds(w, 1)], p1v)
    c0 = pltpu.async_copy(xbuf, xs_hbm.at[p0v.at[0]], sem0)
    c1 = pltpu.async_copy(xbuf, xs_hbm.at[p1v.at[0]], sem1)
    c2 = pltpu.async_copy(w0buf, ws_hbm.at[p0v.at[0]], sem2)
    c3 = pltpu.async_copy(w1buf, ws_hbm.at[p1v.at[0]], sem3)
    c0.wait()
    c1.wait()
    c2.wait()
    c3.wait()


def _dispatch(x3, pos0, pos1, w0r, w1r):
    mesh = plsc.VectorSubcoreMesh(core_axis_name="c", subcore_axis_name="s",
                                  num_cores=NC, num_subcores=NS)
    return pl.kernel(
        _dispatch_body,
        out_type=(
            jax.ShapeDtypeStruct((P, D), jnp.float32),
            jax.ShapeDtypeStruct((P, 128), jnp.float32),
        ),
        mesh=mesh,
        scratch_types=[
            pltpu.VMEM((TPW, D), jnp.float32),
            pltpu.VMEM((TPW, 128), jnp.float32),
            pltpu.VMEM((TPW, 128), jnp.float32),
            pltpu.VMEM((1, TPW), jnp.int32),
            pltpu.VMEM((1, TPW), jnp.int32),
            pltpu.SemaphoreType.DMA,
            pltpu.SemaphoreType.DMA,
            pltpu.SemaphoreType.DMA,
            pltpu.SemaphoreType.DMA,
        ],
    )(x3, pos0, pos1, w0r, w1r)


def _mlp_body(s_ref, xs_ref, wg_ref, wu_ref, wd_ref, ws_ref, out_ref,
              acc_ref, xcache, wgbuf, wubuf, wdbuf, ostage, cnt_ref,
              wg_sem, wu_sem, wd_sem, osem):
    f = pl.program_id(0)
    b = pl.program_id(1)
    newe = s_ref[64 + b]

    def slab_copies(e, half, slot):
        return (
            pltpu.make_async_copy(
                wg_ref.at[e, :, pl.ds(half * F2, F2)], wgbuf.at[slot],
                wg_sem.at[slot]),
            pltpu.make_async_copy(
                wu_ref.at[e, :, pl.ds(half * F2, F2)], wubuf.at[slot],
                wu_sem.at[slot]),
            pltpu.make_async_copy(
                wd_ref.at[e, pl.ds(half * F2, F2), :], wdbuf.at[slot],
                wd_sem.at[slot]),
        )

    @pl.when((f == 0) & (b == 0))
    def _():
        cnt_ref[0] = 0
        for c in slab_copies(s_ref[0], 0, 0):
            c.start()

    @pl.when(newe == 1)
    def _():
        t = cnt_ref[0]
        slot = lax.rem(t, 2)
        for c in slab_copies(s_ref[b], f, slot):
            c.wait()
        nxe = s_ref[128 + b]
        wrap = s_ref[192 + b]
        nxf = f + wrap - 2 * f * wrap

        @pl.when(jnp.logical_not((f == 1) & (wrap == 1)))
        def _():
            for c in slab_copies(nxe, nxf, lax.rem(t + 1, 2)):
                c.start()

        cnt_ref[0] = t + 1

    slot = lax.rem(cnt_ref[0] + 1, 2)
    rows = pl.ds(b * BLK, BLK)
    valid = s_ref[256 + b]

    @pl.when((f == 0) & (valid == 1))
    def _():
        xcache[rows, :] = xs_ref[...].astype(jnp.bfloat16)
        xb = xcache[rows, :]
        g = jnp.dot(xb, wgbuf[slot].astype(jnp.bfloat16),
                    preferred_element_type=jnp.float32)
        u = jnp.dot(xb, wubuf[slot].astype(jnp.bfloat16),
                    preferred_element_type=jnp.float32)
        h = (g * (1.0 / (1.0 + jnp.exp(-g))) * u).astype(jnp.bfloat16)
        acc_ref[rows, :] = (jnp.dot(h, wdbuf[slot].astype(jnp.bfloat16),
                                    preferred_element_type=jnp.float32)
                            * ws_ref[:, 0:1]).astype(jnp.bfloat16)

    @pl.when(f == 1)
    def _():
        oslot = lax.rem(b, 2)

        def ocopy(blk, slot):
            return pltpu.make_async_copy(
                ostage.at[slot], out_ref.at[pl.ds(blk * BLK, BLK)],
                osem.at[slot])

        @pl.when(b >= 2)
        def _():
            ocopy(b - 2, oslot).wait()

        @pl.when(valid == 1)
        def _():
            xb = xcache[rows, :]
            g = jnp.dot(xb, wgbuf[slot].astype(jnp.bfloat16),
                        preferred_element_type=jnp.float32)
            u = jnp.dot(xb, wubuf[slot].astype(jnp.bfloat16),
                        preferred_element_type=jnp.float32)
            h = (g * (1.0 / (1.0 + jnp.exp(-g))) * u).astype(jnp.bfloat16)
            part = jnp.dot(h, wdbuf[slot].astype(jnp.bfloat16),
                           preferred_element_type=jnp.float32) * ws_ref[:, 0:1]
            ostage[oslot] = acc_ref[rows, :].astype(jnp.float32) + part

        ocopy(b, oslot).start()

        @pl.when(b == NB - 1)
        def _():
            ocopy(b - 1, lax.rem(b + 1, 2)).wait()
            ocopy(b, oslot).wait()


def _mlp(smeta, xs, w_gate, w_up, w_down, ws):
    grid_spec = pltpu.PrefetchScalarGridSpec(
        num_scalar_prefetch=1,
        grid=(FC, NB),
        in_specs=[
            pl.BlockSpec((BLK, D), lambda f, b, s: (b * (1 - f), 0)),
            pl.BlockSpec(memory_space=pltpu.MemorySpace.HBM),
            pl.BlockSpec(memory_space=pltpu.MemorySpace.HBM),
            pl.BlockSpec(memory_space=pltpu.MemorySpace.HBM),
            pl.BlockSpec((BLK, 128), lambda f, b, s: (b, 0)),
        ],
        out_specs=pl.BlockSpec(memory_space=pltpu.MemorySpace.HBM),
        scratch_shapes=[
            pltpu.VMEM((P, D), jnp.bfloat16),
            pltpu.VMEM((P, D), jnp.bfloat16),
            pltpu.VMEM((2, D, F2), jnp.float32),
            pltpu.VMEM((2, D, F2), jnp.float32),
            pltpu.VMEM((2, F2, D), jnp.float32),
            pltpu.VMEM((2, BLK, D), jnp.float32),
            pltpu.SMEM((1,), jnp.int32),
            pltpu.SemaphoreType.DMA((2,)),
            pltpu.SemaphoreType.DMA((2,)),
            pltpu.SemaphoreType.DMA((2,)),
            pltpu.SemaphoreType.DMA((2,)),
        ],
    )
    return pl.pallas_call(
        _mlp_body,
        grid_spec=grid_spec,
        out_shape=jax.ShapeDtypeStruct((P, D), jnp.float32),
        compiler_params=pltpu.CompilerParams(
            dimension_semantics=("arbitrary", "arbitrary"),
            vmem_limit_bytes=110 * 1024 * 1024),
    )(smeta, xs, w_gate, w_up, w_down, ws)


def _combine_body(outs_hbm, p0_hbm, p1_hbm, fin_hbm,
                  p0v, p1v, buf0, buf1, res, sem0, sem1):
    w = lax.axis_index("s") * NC + lax.axis_index("c")
    pltpu.sync_copy(p0_hbm.at[pl.ds(w, 1)], p0v)
    pltpu.sync_copy(p1_hbm.at[pl.ds(w, 1)], p1v)

    def half_step(half, _):
        c0 = pltpu.async_copy(outs_hbm.at[p0v.at[0, half]], buf0, sem0)
        c1 = pltpu.async_copy(outs_hbm.at[p1v.at[0, half]], buf1, sem1)
        c0.wait()
        c1.wait()

        def row_step(i, _):
            def chunk_step(j, _):
                res[i, pl.ds(j * 16, 16)] = (
                    buf0[i, pl.ds(j * 16, 16)] + buf1[i, pl.ds(j * 16, 16)])
                return 0

            lax.fori_loop(0, D // 16, chunk_step, 0)
            return 0

        lax.fori_loop(0, 32, row_step, 0)
        pltpu.sync_copy(res, fin_hbm.at[pl.ds(w * TPW + half * 32, 32)])
        return 0

    lax.fori_loop(0, 2, half_step, 0)


def _combine(outs, pos0, pos1):
    mesh = plsc.VectorSubcoreMesh(core_axis_name="c", subcore_axis_name="s",
                                  num_cores=NC, num_subcores=NS)
    return pl.kernel(
        _combine_body,
        out_type=jax.ShapeDtypeStruct((T, D), jnp.float32),
        mesh=mesh,
        scratch_types=[
            pltpu.VMEM((1, 2, 32), jnp.int32),
            pltpu.VMEM((1, 2, 32), jnp.int32),
            pltpu.VMEM((32, D), jnp.float32),
            pltpu.VMEM((32, D), jnp.float32),
            pltpu.VMEM((32, D), jnp.float32),
            pltpu.SemaphoreType.DMA,
            pltpu.SemaphoreType.DMA,
        ],
    )(outs, pos0, pos1)


def kernel(hidden_states, gate_w, w_gate, w_up, w_down):
    B, S, _ = hidden_states.shape
    x = hidden_states.reshape(T, D)
    logits, pos, wrep, meta = _router(x, gate_w)
    smeta = meta[:5].reshape(-1)
    pos0 = pos[:, 0].reshape(NW, TPW)
    pos1 = pos[:, 1].reshape(NW, TPW)
    p0h = pos0.reshape(NW, 2, TPW // 2)
    p1h = pos1.reshape(NW, 2, TPW // 2)
    w0r = wrep[:, :128]
    w1r = wrep[:, 128:]

    xs, ws = _dispatch(x, pos0, pos1, w0r, w1r)
    outs = _mlp(smeta, xs, w_gate, w_up, w_down, ws)
    final = _combine(outs, p0h, p1h)
    return final.reshape(B, S, D), logits

# --- scband reference (transcript-rebuilt; emitter-appended) ---
"""Pipeline reference for scband-llama-sparse-moe-block-42056319763010 (READ-ONLY COPY).

The authoritative reference and input builder live on the scoring server;
editing this copy changes nothing except your own understanding.
"""

import jax, jax.numpy as jnp
import numpy as np

NUM_EXPERTS = 8
TOP_K = 2
D_MODEL = 1024
D_FF = 2816
BATCH = 1
SEQ = 2048
NORM_TOPK_PROB = True


def setup_inputs(seed: int = 0) -> dict:
    key = jax.random.key(seed)
    k0, k1, k2, k3, k4 = jax.random.split(key, 5)
    hidden_states = jax.random.normal(k0, (BATCH, SEQ, D_MODEL), dtype=jnp.float32)
    gate_w = jax.random.normal(k1, (D_MODEL, NUM_EXPERTS), dtype=jnp.float32) * 0.02
    w_gate = jax.random.normal(k2, (NUM_EXPERTS, D_MODEL, D_FF), dtype=jnp.float32) * 0.02
    w_up = jax.random.normal(k3, (NUM_EXPERTS, D_MODEL, D_FF), dtype=jnp.float32) * 0.02
    w_down = jax.random.normal(k4, (NUM_EXPERTS, D_FF, D_MODEL), dtype=jnp.float32) * 0.02
    return {"hidden_states": hidden_states, "gate_w": gate_w, "w_gate": w_gate, "w_up": w_up, "w_down": w_down}


def reference(hidden_states, gate_w, w_gate, w_up, w_down):
    B, S, D = hidden_states.shape
    x = hidden_states.reshape(-1, D)
    T = x.shape[0]
    router_logits = x @ gate_w  # [T, E]
    routing_weights = jax.nn.softmax(router_logits.astype(jnp.float32), axis=1)
    top_vals, top_idx = jax.lax.top_k(routing_weights, TOP_K)  # [T, top_k]
    if NORM_TOPK_PROB:
        top_vals = top_vals / jnp.sum(top_vals, axis=-1, keepdims=True)
    top_vals = top_vals.astype(x.dtype)
    # Dense per-token expert weight matrix: zero for unselected experts.
    # Mathematically identical to the torch expert-mask gather/index_add loop.
    w_full = jnp.zeros((T, NUM_EXPERTS), dtype=x.dtype).at[jnp.arange(T)[:, None], top_idx].add(top_vals)
    final = jnp.zeros((T, D), dtype=x.dtype)
    for e in range(NUM_EXPERTS):
        h = jax.nn.silu(x @ w_gate[e]) * (x @ w_up[e])  # LlamaMLP: down(silu(gate(x)) * up(x))
        expert_out = h @ w_down[e]
        final = final + expert_out * w_full[:, e:e + 1]
    return final.reshape(B, S, D), router_logits

if __name__ == "__main__":
    import jax
    _d = setup_inputs()
    print(jax.jit(kernel)(*tuple(_d.values())))

</pallas_src>

<mosaic_0001>
#map = affine_map<(d0, d1) -> (0, 0)>
module attributes {stable_mosaic.version = 14 : i64} {
  func.func @_dispatch_body(%arg0: i32, %arg1: i32, %arg2: memref<2048x1024xf32, #tpu.memory_space<hbm>>, %arg3: memref<32x64xi32, #tpu.memory_space<hbm>>, %arg4: memref<32x64xi32, #tpu.memory_space<hbm>>, %arg5: memref<2048x128xf32, #tpu.memory_space<hbm>>, %arg6: memref<2048x128xf32, #tpu.memory_space<hbm>>, %arg7: memref<5120x1024xf32, #tpu.memory_space<hbm>>, %arg8: memref<5120x128xf32, #tpu.memory_space<hbm>>, %arg9: memref<64x1024xf32, #tpu.memory_space<vmem>>, %arg10: memref<64x128xf32, #tpu.memory_space<vmem>>, %arg11: memref<64x128xf32, #tpu.memory_space<vmem>>, %arg12: memref<1x64xi32, #tpu.memory_space<vmem>>, %arg13: memref<1x64xi32, #tpu.memory_space<vmem>>, %arg14: memref<!tpu.dma_semaphore, #tpu.memory_space<semaphore_mem>>, %arg15: memref<!tpu.dma_semaphore, #tpu.memory_space<semaphore_mem>>, %arg16: memref<!tpu.dma_semaphore, #tpu.memory_space<semaphore_mem>>, %arg17: memref<!tpu.dma_semaphore, #tpu.memory_space<semaphore_mem>>) attributes {dimension_semantics = [#tpu.dimension_semantics<core_parallel>, #tpu.dimension_semantics<subcore_parallel>], iteration_bounds = array<i64: 2, 16>, scalar_prefetch = 0 : i64, scratch_operands = 9 : i64, tpu.core_type = #tpu.core_type<sc_vector_subcore>, window_params = [{transform_indices = #map}, {transform_indices = #map}, {transform_indices = #map}, {transform_indices = #map}, {transform_indices = #map}, {transform_indices = #map}, {transform_indices = #map}]} {
    %mul3A = arith.constant 2 : i32
    %mul3A_0 = arith.muli %arg1, %mul3A : i32
    %add3A = arith.addi %mul3A_0, %arg0 : i32
    %mul3A_1 = arith.constant 64 : i32
    %mul3A_2 = arith.muli %add3A, %mul3A_1 : i32
    "tpu.region"() ({
      %run_scoped3A = tpu.sem_alloc : memref<!tpu.dma_semaphore, #tpu.memory_space<semaphore_mem>>
      %dma_start3A_61 = arith.constant 0 : i32
      %dma_start3A_62 = tpu.memref_slice %arg2[%mul3A_2, %dma_start3A_61] : memref<2048x1024xf32, #tpu.memory_space<hbm>> -> memref<64x1024xf32, #tpu.memory_space<hbm>>
      %dma_start3A_63 = arith.constant 0 : i32
      %dma_start3A_64 = tpu.memref_slice %arg2[%mul3A_2, %dma_start3A_63] : memref<2048x1024xf32, #tpu.memory_space<hbm>> -> memref<64x1024xf32, #tpu.memory_space<hbm>>
      tpu.enqueue_dma source(%dma_start3A_64 : memref<64x1024xf32, #tpu.memory_space<hbm>>) target(%arg9 : memref<64x1024xf32, #tpu.memory_space<vmem>>) target_semaphore(%run_scoped3A : memref<!tpu.dma_semaphore, #tpu.memory_space<semaphore_mem>>)
      %dma_wait3A_65 = arith.constant 0 : i32
      %dma_wait3A_66 = tpu.memref_slice %arg2[%mul3A_2, %dma_wait3A_65] : memref<2048x1024xf32, #tpu.memory_space<hbm>> -> memref<64x1024xf32, #tpu.memory_space<hbm>>
      %dma_wait3A_67 = arith.constant 0 : i32
      %dma_wait3A_68 = tpu.memref_slice %arg2[%mul3A_2, %dma_wait3A_67] : memref<2048x1024xf32, #tpu.memory_space<hbm>> -> memref<64x1024xf32, #tpu.memory_space<hbm>>
      tpu.wait_dma2 semaphore(%run_scoped3A : memref<!tpu.dma_semaphore, #tpu.memory_space<semaphore_mem>>) src(%dma_wait3A_68 : memref<64x1024xf32, #tpu.memory_space<hbm>>) dst(%arg9 : memref<64x1024xf32, #tpu.memory_space<vmem>>)
      tpu.yield
    }) : () -> ()
    %mul3A_3 = arith.constant 64 : i32
    %mul3A_4 = arith.muli %add3A, %mul3A_3 : i32
    "tpu.region"() ({
      %run_scoped3A = tpu.sem_alloc : memref<!tpu.dma_semaphore, #tpu.memory_space<semaphore_mem>>
      %dma_start3A_61 = arith.constant 0 : i32
      %dma_start3A_62 = tpu.memref_slice %arg5[%mul3A_4, %dma_start3A_61] : memref<2048x128xf32, #tpu.memory_space<hbm>> -> memref<64x128xf32, #tpu.memory_space<hbm>>
      %dma_start3A_63 = arith.constant 0 : i32
      %dma_start3A_64 = tpu.memref_slice %arg5[%mul3A_4, %dma_start3A_63] : memref<2048x128xf32, #tpu.memory_space<hbm>> -> memref<64x128xf32, #tpu.memory_space<hbm>>
      tpu.enqueue_dma source(%dma_start3A_64 : memref<64x128xf32, #tpu.memory_space<hbm>>) target(%arg10 : memref<64x128xf32, #tpu.memory_space<vmem>>) target_semaphore(%run_scoped3A : memref<!tpu.dma_semaphore, #tpu.memory_space<semaphore_mem>>)
      %dma_wait3A_65 = arith.constant 0 : i32
      %dma_wait3A_66 = tpu.memref_slice %arg5[%mul3A_4, %dma_wait3A_65] : memref<2048x128xf32, #tpu.memory_space<hbm>> -> memref<64x128xf32, #tpu.memory_space<hbm>>
      %dma_wait3A_67 = arith.constant 0 : i32
      %dma_wait3A_68 = tpu.memref_slice %arg5[%mul3A_4, %dma_wait3A_67] : memref<2048x128xf32, #tpu.memory_space<hbm>> -> memref<64x128xf32, #tpu.memory_space<hbm>>
      tpu.wait_dma2 semaphore(%run_scoped3A : memref<!tpu.dma_semaphore, #tpu.memory_space<semaphore_mem>>) src(%dma_wait3A_68 : memref<64x128xf32, #tpu.memory_space<hbm>>) dst(%arg10 : memref<64x128xf32, #tpu.memory_space<vmem>>)
      tpu.yield
    }) : () -> ()
    %mul3A_5 = arith.constant 64 : i32
    %mul3A_6 = arith.muli %add3A, %mul3A_5 : i32
    "tpu.region"() ({
      %run_scoped3A = tpu.sem_alloc : memref<!tpu.dma_semaphore, #tpu.memory_space<semaphore_mem>>
      %dma_start3A_61 = arith.constant 0 : i32
      %dma_start3A_62 = tpu.memref_slice %arg6[%mul3A_6, %dma_start3A_61] : memref<2048x128xf32, #tpu.memory_space<hbm>> -> memref<64x128xf32, #tpu.memory_space<hbm>>
      %dma_start3A_63 = arith.constant 0 : i32
      %dma_start3A_64 = tpu.memref_slice %arg6[%mul3A_6, %dma_start3A_63] : memref<2048x128xf32, #tpu.memory_space<hbm>> -> memref<64x128xf32, #tpu.memory_space<hbm>>
      tpu.enqueue_dma source(%dma_start3A_64 : memref<64x128xf32, #tpu.memory_space<hbm>>) target(%arg11 : memref<64x128xf32, #tpu.memory_space<vmem>>) target_semaphore(%run_scoped3A : memref<!tpu.dma_semaphore, #tpu.memory_space<semaphore_mem>>)
      %dma_wait3A_65 = arith.constant 0 : i32
      %dma_wait3A_66 = tpu.memref_slice %arg6[%mul3A_6, %dma_wait3A_65] : memref<2048x128xf32, #tpu.memory_space<hbm>> -> memref<64x128xf32, #tpu.memory_space<hbm>>
      %dma_wait3A_67 = arith.constant 0 : i32
      %dma_wait3A_68 = tpu.memref_slice %arg6[%mul3A_6, %dma_wait3A_67] : memref<2048x128xf32, #tpu.memory_space<hbm>> -> memref<64x128xf32, #tpu.memory_space<hbm>>
      tpu.wait_dma2 semaphore(%run_scoped3A : memref<!tpu.dma_semaphore, #tpu.memory_space<semaphore_mem>>) src(%dma_wait3A_68 : memref<64x128xf32, #tpu.memory_space<hbm>>) dst(%arg11 : memref<64x128xf32, #tpu.memory_space<vmem>>)
      tpu.yield
    }) : () -> ()
    "tpu.region"() ({
      %run_scoped3A = tpu.sem_alloc : memref<!tpu.dma_semaphore, #tpu.memory_space<semaphore_mem>>
      %dma_start3A_61 = arith.constant 0 : i32
      %dma_start3A_62 = tpu.memref_slice %arg3[%add3A, %dma_start3A_61] : memref<32x64xi32, #tpu.memory_space<hbm>> -> memref<1x64xi32, #tpu.memory_space<hbm>>
      %dma_start3A_63 = arith.constant 0 : i32
      %dma_start3A_64 = tpu.memref_slice %arg3[%add3A, %dma_start3A_63] : memref<32x64xi32, #tpu.memory_space<hbm>> -> memref<1x64xi32, #tpu.memory_space<hbm>>
      tpu.enqueue_dma source(%dma_start3A_64 : memref<1x64xi32, #tpu.memory_space<hbm>>) target(%arg12 : memref<1x64xi32, #tpu.memory_space<vmem>>) target_semaphore(%run_scoped3A : memref<!tpu.dma_semaphore, #tpu.memory_space<semaphore_mem>>)
      %dma_wait3A_65 = arith.constant 0 : i32
      %dma_wait3A_66 = tpu.memref_slice %arg3[%add3A, %dma_wait3A_65] : memref<32x64xi32, #tpu.memory_space<hbm>> -> memref<1x64xi32, #tpu.memory_space<hbm>>
      %dma_wait3A_67 = arith.constant 0 : i32
      %dma_wait3A_68 = tpu.memref_slice %arg3[%add3A, %dma_wait3A_67] : memref<32x64xi32, #tpu.memory_space<hbm>> -> memref<1x64xi32, #tpu.memory_space<hbm>>
      tpu.wait_dma2 semaphore(%run_scoped3A : memref<!tpu.dma_semaphore, #tpu.memory_space<semaphore_mem>>) src(%dma_wait3A_68 : memref<1x64xi32, #tpu.memory_space<hbm>>) dst(%arg12 : memref<1x64xi32, #tpu.memory_space<vmem>>)
      tpu.yield
    }) : () -> ()
    "tpu.region"() ({
      %run_scoped3A = tpu.sem_alloc : memref<!tpu.dma_semaphore, #tpu.memory_space<semaphore_mem>>
      %dma_start3A_61 = arith.constant 0 : i32
      %dma_start3A_62 = tpu.memref_slice %arg4[%add3A, %dma_start3A_61] : memref<32x64xi32, #tpu.memory_space<hbm>> -> memref<1x64xi32, #tpu.memory_space<hbm>>
      %dma_start3A_63 = arith.constant 0 : i32
      %dma_start3A_64 = tpu.memref_slice %arg4[%add3A, %dma_start3A_63] : memref<32x64xi32, #tpu.memory_space<hbm>> -> memref<1x64xi32, #tpu.memory_space<hbm>>
      tpu.enqueue_dma source(%dma_start3A_64 : memref<1x64xi32, #tpu.memory_space<hbm>>) target(%arg13 : memref<1x64xi32, #tpu.memory_space<vmem>>) target_semaphore(%run_scoped3A : memref<!tpu.dma_semaphore, #tpu.memory_space<semaphore_mem>>)
      %dma_wait3A_65 = arith.constant 0 : i32
      %dma_wait3A_66 = tpu.memref_slice %arg4[%add3A, %dma_wait3A_65] : memref<32x64xi32, #tpu.memory_space<hbm>> -> memref<1x64xi32, #tpu.memory_space<hbm>>
      %dma_wait3A_67 = arith.constant 0 : i32
      %dma_wait3A_68 = tpu.memref_slice %arg4[%add3A, %dma_wait3A_67] : memref<32x64xi32, #tpu.memory_space<hbm>> -> memref<1x64xi32, #tpu.memory_space<hbm>>
      tpu.wait_dma2 semaphore(%run_scoped3A : memref<!tpu.dma_semaphore, #tpu.memory_space<semaphore_mem>>) src(%dma_wait3A_68 : memref<1x64xi32, #tpu.memory_space<hbm>>) dst(%arg13 : memref<1x64xi32, #tpu.memory_space<vmem>>)
      tpu.yield
    }) : () -> ()
    %dma_start3A = arith.constant 0 : i32
    %dma_start3A_7 = arith.constant 0 : i32
    %dma_start3A_8 = tpu.memref_slice %arg12[%dma_start3A, %dma_start3A_7] : memref<1x64xi32, #tpu.memory_space<vmem>> -> memref<1x64xi32, #tpu.memory_space<vmem>>
    %dma_start3A_9 = tpu.memref_squeeze %dma_start3A_8 : memref<1x64xi32, #tpu.memory_space<vmem>> -> memref<64xi32, #tpu.memory_space<vmem>>
    %dma_start3A_10 = arith.constant 0 : i32
    %dma_start3A_11 = arith.constant 0 : i32
    %dma_start3A_12 = tpu.memref_slice %arg7[%dma_start3A_10, %dma_start3A_11] : memref<5120x1024xf32, #tpu.memory_space<hbm>> -> memref<5120x1024xf32, #tpu.memory_space<hbm>>
    tpu.enqueue_indirect_dma source(%arg9 : memref<64x1024xf32, #tpu.memory_space<vmem>>) target(%dma_start3A_12 : memref<5120x1024xf32, #tpu.memory_space<hbm>>) offsets(%dma_start3A_9 : memref<64xi32, #tpu.memory_space<vmem>>) semaphore(%arg14 : memref<!tpu.dma_semaphore, #tpu.memory_space<semaphore_mem>>)
    %dma_start3A_13 = arith.constant 0 : i32
    %dma_start3A_14 = arith.constant 0 : i32
    %dma_start3A_15 = tpu.memref_slice %arg13[%dma_start3A_13, %dma_start3A_14] : memref<1x64xi32, #tpu.memory_space<vmem>> -> memref<1x64xi32, #tpu.memory_space<vmem>>
    %dma_start3A_16 = tpu.memref_squeeze %dma_start3A_15 : memref<1x64xi32, #tpu.memory_space<vmem>> -> memref<64xi32, #tpu.memory_space<vmem>>
    %dma_start3A_17 = arith.constant 0 : i32
    %dma_start3A_18 = arith.constant 0 : i32
    %dma_start3A_19 = tpu.memref_slice %arg7[%dma_start3A_17, %dma_start3A_18] : memref<5120x1024xf32, #tpu.memory_space<hbm>> -> memref<5120x1024xf32, #tpu.memory_space<hbm>>
    tpu.enqueue_indirect_dma source(%arg9 : memref<64x1024xf32, #tpu.memory_space<vmem>>) target(%dma_start3A_19 : memref<5120x1024xf32, #tpu.memory_space<hbm>>) offsets(%dma_start3A_16 : memref<64xi32, #tpu.memory_space<vmem>>) semaphore(%arg15 : memref<!tpu.dma_semaphore, #tpu.memory_space<semaphore_mem>>)
    %dma_start3A_20 = arith.constant 0 : i32
    %dma_start3A_21 = arith.constant 0 : i32
    %dma_start3A_22 = tpu.memref_slice %arg12[%dma_start3A_20, %dma_start3A_21] : memref<1x64xi32, #tpu.memory_space<vmem>> -> memref<1x64xi32, #tpu.memory_space<vmem>>
    %dma_start3A_23 = tpu.memref_squeeze %dma_start3A_22 : memref<1x64xi32, #tpu.memory_space<vmem>> -> memref<64xi32, #tpu.memory_space<vmem>>
    %dma_start3A_24 = arith.constant 0 : i32
    %dma_start3A_25 = arith.constant 0 : i32
    %dma_start3A_26 = tpu.memref_slice %arg8[%dma_start3A_24, %dma_start3A_25] : memref<5120x128xf32, #tpu.memory_space<hbm>> -> memref<5120x128xf32, #tpu.memory_space<hbm>>
    tpu.enqueue_indirect_dma source(%arg10 : memref<64x128xf32, #tpu.memory_space<vmem>>) target(%dma_start3A_26 : memref<5120x128xf32, #tpu.memory_space<hbm>>) offsets(%dma_start3A_23 : memref<64xi32, #tpu.memory_space<vmem>>) semaphore(%arg16 : memref<!tpu.dma_semaphore, #tpu.memory_space<semaphore_mem>>)
    %dma_start3A_27 = arith.constant 0 : i32
    %dma_start3A_28 = arith.constant 0 : i32
    %dma_start3A_29 = tpu.memref_slice %arg13[%dma_start3A_27, %dma_start3A_28] : memref<1x64xi32, #tpu.memory_space<vmem>> -> memref<1x64xi32, #tpu.memory_space<vmem>>
    %dma_start3A_30 = tpu.memref_squeeze %dma_start3A_29 : memref<1x64xi32, #tpu.memory_space<vmem>> -> memref<64xi32, #tpu.memory_space<vmem>>
    %dma_start3A_31 = arith.constant 0 : i32
    %dma_start3A_32 = arith.constant 0 : i32
    %dma_start3A_33 = tpu.memref_slice %arg8[%dma_start3A_31, %dma_start3A_32] : memref<5120x128xf32, #tpu.memory_space<hbm>> -> memref<5120x128xf32, #tpu.memory_space<hbm>>
    tpu.enqueue_indirect_dma source(%arg11 : memref<64x128xf32, #tpu.memory_space<vmem>>) target(%dma_start3A_33 : memref<5120x128xf32, #tpu.memory_space<hbm>>) offsets(%dma_start3A_30 : memref<64xi32, #tpu.memory_space<vmem>>) semaphore(%arg17 : memref<!tpu.dma_semaphore, #tpu.memory_space<semaphore_mem>>)
    %dma_wait3A = arith.constant 0 : i32
    %dma_wait3A_34 = arith.constant 0 : i32
    %dma_wait3A_35 = tpu.memref_slice %arg12[%dma_wait3A, %dma_wait3A_34] : memref<1x64xi32, #tpu.memory_space<vmem>> -> memref<1x64xi32, #tpu.memory_space<vmem>>
    %dma_wait3A_36 = tpu.memref_squeeze %dma_wait3A_35 : memref<1x64xi32, #tpu.memory_space<vmem>> -> memref<64xi32, #tpu.memory_space<vmem>>
    %dma_wait3A_37 = arith.constant 0 : i32
    %dma_wait3A_38 = arith.constant 0 : i32
    %dma_wait3A_39 = tpu.memref_slice %arg7[%dma_wait3A_37, %dma_wait3A_38] : memref<5120x1024xf32, #tpu.memory_space<hbm>> -> memref<5120x1024xf32, #tpu.memory_space<hbm>>
    tpu.wait_indirect_dma semaphore(%arg14 : memref<!tpu.dma_semaphore, #tpu.memory_space<semaphore_mem>>) src(%arg9 : memref<64x1024xf32, #tpu.memory_space<vmem>>) dst(%dma_wait3A_39 : memref<5120x1024xf32, #tpu.memory_space<hbm>>)
    %dma_wait3A_40 = arith.constant 0 : i32
    %dma_wait3A_41 = arith.constant 0 : i32
    %dma_wait3A_42 = tpu.memref_slice %arg13[%dma_wait3A_40, %dma_wait3A_41] : memref<1x64xi32, #tpu.memory_space<vmem>> -> memref<1x64xi32, #tpu.memory_space<vmem>>
    %dma_wait3A_43 = tpu.memref_squeeze %dma_wait3A_42 : memref<1x64xi32, #tpu.memory_space<vmem>> -> memref<64xi32, #tpu.memory_space<vmem>>
    %dma_wait3A_44 = arith.constant 0 : i32
    %dma_wait3A_45 = arith.constant 0 : i32
    %dma_wait3A_46 = tpu.memref_slice %arg7[%dma_wait3A_44, %dma_wait3A_45] : memref<5120x1024xf32, #tpu.memory_space<hbm>> -> memref<5120x1024xf32, #tpu.memory_space<hbm>>
    tpu.wait_indirect_dma semaphore(%arg15 : memref<!tpu.dma_semaphore, #tpu.memory_space<semaphore_mem>>) src(%arg9 : memref<64x1024xf32, #tpu.memory_space<vmem>>) dst(%dma_wait3A_46 : memref<5120x1024xf32, #tpu.memory_space<hbm>>)
    %dma_wait3A_47 = arith.constant 0 : i32
    %dma_wait3A_48 = arith.constant 0 : i32
    %dma_wait3A_49 = tpu.memref_slice %arg12[%dma_wait3A_47, %dma_wait3A_48] : memref<1x64xi32, #tpu.memory_space<vmem>> -> memref<1x64xi32, #tpu.memory_space<vmem>>
    %dma_wait3A_50 = tpu.memref_squeeze %dma_wait3A_49 : memref<1x64xi32, #tpu.memory_space<vmem>> -> memref<64xi32, #tpu.memory_space<vmem>>
    %dma_wait3A_51 = arith.constant 0 : i32
    %dma_wait3A_52 = arith.constant 0 : i32
    %dma_wait3A_53 = tpu.memref_slice %arg8[%dma_wait3A_51, %dma_wait3A_52] : memref<5120x128xf32, #tpu.memory_space<hbm>> -> memref<5120x128xf32, #tpu.memory_space<hbm>>
    tpu.wait_indirect_dma semaphore(%arg16 : memref<!tpu.dma_semaphore, #tpu.memory_space<semaphore_mem>>) src(%arg10 : memref<64x128xf32, #tpu.memory_space<vmem>>) dst(%dma_wait3A_53 : memref<5120x128xf32, #tpu.memory_space<hbm>>)
    %dma_wait3A_54 = arith.constant 0 : i32
    %dma_wait3A_55 = arith.constant 0 : i32
    %dma_wait3A_56 = tpu.memref_slice %arg13[%dma_wait3A_54, %dma_wait3A_55] : memref<1x64xi32, #tpu.memory_space<vmem>> -> memref<1x64xi32, #tpu.memory_space<vmem>>
    %dma_wait3A_57 = tpu.memref_squeeze %dma_wait3A_56 : memref<1x64xi32, #tpu.memory_space<vmem>> -> memref<64xi32, #tpu.memory_space<vmem>>
    %dma_wait3A_58 = arith.constant 0 : i32
    %dma_wait3A_59 = arith.constant 0 : i32
    %dma_wait3A_60 = tpu.memref_slice %arg8[%dma_wait3A_58, %dma_wait3A_59] : memref<5120x128xf32, #tpu.memory_space<hbm>> -> memref<5120x128xf32, #tpu.memory_space<hbm>>
    tpu.wait_indirect_dma semaphore(%arg17 : memref<!tpu.dma_semaphore, #tpu.memory_space<semaphore_mem>>) src(%arg11 : memref<64x128xf32, #tpu.memory_space<vmem>>) dst(%dma_wait3A_60 : memref<5120x128xf32, #tpu.memory_space<hbm>>)
    return
  }
}

#map = affine_map<(d0, d1) -> (0, 0)>
#map1 = affine_map<(d0, d1) -> (0, 0, 0)>
module attributes {stable_mosaic.version = 14 : i64} {
  func.func @_combine_body(%arg0: i32, %arg1: i32, %arg2: memref<5120x1024xf32, #tpu.memory_space<hbm>>, %arg3: memref<32x2x32xi32, #tpu.memory_space<hbm>>, %arg4: memref<32x2x32xi32, #tpu.memory_space<hbm>>, %arg5: memref<2048x1024xf32, #tpu.memory_space<hbm>>, %arg6: memref<1x2x32xi32, #tpu.memory_space<vmem>>, %arg7: memref<1x2x32xi32, #tpu.memory_space<vmem>>, %arg8: memref<32x1024xf32, #tpu.memory_space<vmem>>, %arg9: memref<32x1024xf32, #tpu.memory_space<vmem>>, %arg10: memref<32x1024xf32, #tpu.memory_space<vmem>>, %arg11: memref<!tpu.dma_semaphore, #tpu.memory_space<semaphore_mem>>, %arg12: memref<!tpu.dma_semaphore, #tpu.memory_space<semaphore_mem>>) attributes {dimension_semantics = [#tpu.dimension_semantics<core_parallel>, #tpu.dimension_semantics<subcore_parallel>], iteration_bounds = array<i64: 2, 16>, scalar_prefetch = 0 : i64, scratch_operands = 7 : i64, tpu.core_type = #tpu.core_type<sc_vector_subcore>, window_params = [{transform_indices = #map}, {transform_indices = #map1}, {transform_indices = #map1}, {transform_indices = #map}]} {
    %mul3A = arith.constant 2 : i32
    %mul3A_0 = arith.muli %arg1, %mul3A : i32
    %add3A = arith.addi %mul3A_0, %arg0 : i32
    "tpu.region"() ({
      %run_scoped3A = tpu.sem_alloc : memref<!tpu.dma_semaphore, #tpu.memory_space<semaphore_mem>>
      %dma_start3A = arith.constant 0 : i32
      %dma_start3A_7 = arith.constant 0 : i32
      %dma_start3A_8 = tpu.memref_slice %arg3[%add3A, %dma_start3A, %dma_start3A_7] : memref<32x2x32xi32, #tpu.memory_space<hbm>> -> memref<1x2x32xi32, #tpu.memory_space<hbm>>
      %dma_start3A_9 = arith.constant 0 : i32
      %dma_start3A_10 = arith.constant 0 : i32
      %dma_start3A_11 = tpu.memref_slice %arg3[%add3A, %dma_start3A_9, %dma_start3A_10] : memref<32x2x32xi32, #tpu.memory_space<hbm>> -> memref<1x2x32xi32, #tpu.memory_space<hbm>>
      tpu.enqueue_dma source(%dma_start3A_11 : memref<1x2x32xi32, #tpu.memory_space<hbm>>) target(%arg6 : memref<1x2x32xi32, #tpu.memory_space<vmem>>) target_semaphore(%run_scoped3A : memref<!tpu.dma_semaphore, #tpu.memory_space<semaphore_mem>>)
      %dma_wait3A = arith.constant 0 : i32
      %dma_wait3A_12 = arith.constant 0 : i32
      %dma_wait3A_13 = tpu.memref_slice %arg3[%add3A, %dma_wait3A, %dma_wait3A_12] : memref<32x2x32xi32, #tpu.memory_space<hbm>> -> memref<1x2x32xi32, #tpu.memory_space<hbm>>
      %dma_wait3A_14 = arith.constant 0 : i32
      %dma_wait3A_15 = arith.constant 0 : i32
      %dma_wait3A_16 = tpu.memref_slice %arg3[%add3A, %dma_wait3A_14, %dma_wait3A_15] : memref<32x2x32xi32, #tpu.memory_space<hbm>> -> memref<1x2x32xi32, #tpu.memory_space<hbm>>
      tpu.wait_dma2 semaphore(%run_scoped3A : memref<!tpu.dma_semaphore, #tpu.memory_space<semaphore_mem>>) src(%dma_wait3A_16 : memref<1x2x32xi32, #tpu.memory_space<hbm>>) dst(%arg6 : memref<1x2x32xi32, #tpu.memory_space<vmem>>)
      tpu.yield
    }) : () -> ()
    "tpu.region"() ({
      %run_scoped3A = tpu.sem_alloc : memref<!tpu.dma_semaphore, #tpu.memory_space<semaphore_mem>>
      %dma_start3A = arith.constant 0 : i32
      %dma_start3A_7 = arith.constant 0 : i32
      %dma_start3A_8 = tpu.memref_slice %arg4[%add3A, %dma_start3A, %dma_start3A_7] : memref<32x2x32xi32, #tpu.memory_space<hbm>> -> memref<1x2x32xi32, #tpu.memory_space<hbm>>
      %dma_start3A_9 = arith.constant 0 : i32
      %dma_start3A_10 = arith.constant 0 : i32
      %dma_start3A_11 = tpu.memref_slice %arg4[%add3A, %dma_start3A_9, %dma_start3A_10] : memref<32x2x32xi32, #tpu.memory_space<hbm>> -> memref<1x2x32xi32, #tpu.memory_space<hbm>>
      tpu.enqueue_dma source(%dma_start3A_11 : memref<1x2x32xi32, #tpu.memory_space<hbm>>) target(%arg7 : memref<1x2x32xi32, #tpu.memory_space<vmem>>) target_semaphore(%run_scoped3A : memref<!tpu.dma_semaphore, #tpu.memory_space<semaphore_mem>>)
      %dma_wait3A = arith.constant 0 : i32
      %dma_wait3A_12 = arith.constant 0 : i32
      %dma_wait3A_13 = tpu.memref_slice %arg4[%add3A, %dma_wait3A, %dma_wait3A_12] : memref<32x2x32xi32, #tpu.memory_space<hbm>> -> memref<1x2x32xi32, #tpu.memory_space<hbm>>
      %dma_wait3A_14 = arith.constant 0 : i32
      %dma_wait3A_15 = arith.constant 0 : i32
      %dma_wait3A_16 = tpu.memref_slice %arg4[%add3A, %dma_wait3A_14, %dma_wait3A_15] : memref<32x2x32xi32, #tpu.memory_space<hbm>> -> memref<1x2x32xi32, #tpu.memory_space<hbm>>
      tpu.wait_dma2 semaphore(%run_scoped3A : memref<!tpu.dma_semaphore, #tpu.memory_space<semaphore_mem>>) src(%dma_wait3A_16 : memref<1x2x32xi32, #tpu.memory_space<hbm>>) dst(%arg7 : memref<1x2x32xi32, #tpu.memory_space<vmem>>)
      tpu.yield
    }) : () -> ()
    %scan3A = arith.constant 0 : i32
    %scan3A_1 = arith.constant 0 : i32
    %scan3A_2 = arith.constant 2 : i32
    %scan3A_3 = arith.addi %scan3A_1, %scan3A_2 : i32
    %scan3A_4 = arith.constant 1 : i32
    %scan3A_5 = scf.for %scan3A_7 = %scan3A_1 to %scan3A_3 step %scan3A_4 iter_args(%scan3A_8 = %scan3A) -> (i32)  : i32 {
      %dma_start3A = arith.constant 0 : i32
      %dma_start3A_9 = arith.constant 0 : i32
      %dma_start3A_10 = tpu.memref_slice %arg6[%dma_start3A, %scan3A_7, %dma_start3A_9] : memref<1x2x32xi32, #tpu.memory_space<vmem>> -> memref<1x1x32xi32, #tpu.memory_space<vmem>>
      %dma_start3A_11 = tpu.memref_squeeze %dma_start3A_10 : memref<1x1x32xi32, #tpu.memory_space<vmem>> -> memref<32xi32, #tpu.memory_space<vmem>>
      %dma_start3A_12 = arith.constant 0 : i32
      %dma_start3A_13 = arith.constant 0 : i32
      %dma_start3A_14 = tpu.memref_slice %arg2[%dma_start3A_12, %dma_start3A_13] : memref<5120x1024xf32, #tpu.memory_space<hbm>> -> memref<5120x1024xf32, #tpu.memory_space<hbm>>
      tpu.enqueue_indirect_dma source(%dma_start3A_14 : memref<5120x1024xf32, #tpu.memory_space<hbm>>) target(%arg8 : memref<32x1024xf32, #tpu.memory_space<vmem>>) offsets(%dma_start3A_11 : memref<32xi32, #tpu.memory_space<vmem>>) semaphore(%arg11 : memref<!tpu.dma_semaphore, #tpu.memory_space<semaphore_mem>>)
      %dma_start3A_15 = arith.constant 0 : i32
      %dma_start3A_16 = arith.constant 0 : i32
      %dma_start3A_17 = tpu.memref_slice %arg7[%dma_start3A_15, %scan3A_7, %dma_start3A_16] : memref<1x2x32xi32, #tpu.memory_space<vmem>> -> memref<1x1x32xi32, #tpu.memory_space<vmem>>
      %dma_start3A_18 = tpu.memref_squeeze %dma_start3A_17 : memref<1x1x32xi32, #tpu.memory_space<vmem>> -> memref<32xi32, #tpu.memory_space<vmem>>
      %dma_start3A_19 = arith.constant 0 : i32
      %dma_start3A_20 = arith.constant 0 : i32
      %dma_start3A_21 = tpu.memref_slice %arg2[%dma_start3A_19, %dma_start3A_20] : memref<5120x1024xf32, #tpu.memory_space<hbm>> -> memref<5120x1024xf32, #tpu.memory_space<hbm>>
      tpu.enqueue_indirect_dma source(%dma_start3A_21 : memref<5120x1024xf32, #tpu.memory_space<hbm>>) target(%arg9 : memref<32x1024xf32, #tpu.memory_space<vmem>>) offsets(%dma_start3A_18 : memref<32xi32, #tpu.memory_space<vmem>>) semaphore(%arg12 : memref<!tpu.dma_semaphore, #tpu.memory_space<semaphore_mem>>)
      %dma_wait3A = arith.constant 0 : i32
      %dma_wait3A_22 = arith.constant 0 : i32
      %dma_wait3A_23 = tpu.memref_slice %arg6[%dma_wait3A, %scan3A_7, %dma_wait3A_22] : memref<1x2x32xi32, #tpu.memory_space<vmem>> -> memref<1x1x32xi32, #tpu.memory_space<vmem>>
      %dma_wait3A_24 = tpu.memref_squeeze %dma_wait3A_23 : memref<1x1x32xi32, #tpu.memory_space<vmem>> -> memref<32xi32, #tpu.memory_space<vmem>>
      %dma_wait3A_25 = arith.constant 0 : i32
      %dma_wait3A_26 = arith.constant 0 : i32
      %dma_wait3A_27 = tpu.memref_slice %arg2[%dma_wait3A_25, %dma_wait3A_26] : memref<5120x1024xf32, #tpu.memory_space<hbm>> -> memref<5120x1024xf32, #tpu.memory_space<hbm>>
      tpu.wait_indirect_dma semaphore(%arg11 : memref<!tpu.dma_semaphore, #tpu.memory_space<semaphore_mem>>) src(%dma_wait3A_27 : memref<5120x1024xf32, #tpu.memory_space<hbm>>) dst(%arg8 : memref<32x1024xf32, #tpu.memory_space<vmem>>)
      %dma_wait3A_28 = arith.constant 0 : i32
      %dma_wait3A_29 = arith.constant 0 : i32
      %dma_wait3A_30 = tpu.memref_slice %arg7[%dma_wait3A_28, %scan3A_7, %dma_wait3A_29] : memref<1x2x32xi32, #tpu.memory_space<vmem>> -> memref<1x1x32xi32, #tpu.memory_space<vmem>>
      %dma_wait3A_31 = tpu.memref_squeeze %dma_wait3A_30 : memref<1x1x32xi32, #tpu.memory_space<vmem>> -> memref<32xi32, #tpu.memory_space<vmem>>
      %dma_wait3A_32 = arith.constant 0 : i32
      %dma_wait3A_33 = arith.constant 0 : i32
      %dma_wait3A_34 = tpu.memref_slice %arg2[%dma_wait3A_32, %dma_wait3A_33] : memref<5120x1024xf32, #tpu.memory_space<hbm>> -> memref<5120x1024xf32, #tpu.memory_space<hbm>>
      tpu.wait_indirect_dma semaphore(%arg12 : memref<!tpu.dma_semaphore, #tpu.memory_space<semaphore_mem>>) src(%dma_wait3A_34 : memref<5120x1024xf32, #tpu.memory_space<hbm>>) dst(%arg9 : memref<32x1024xf32, #tpu.memory_space<vmem>>)
      %scan3A_35 = arith.constant 0 : i32
      %scan3A_36 = arith.constant 0 : i32
      %scan3A_37 = arith.constant 32 : i32
      %scan3A_38 = arith.addi %scan3A_36, %scan3A_37 : i32
      %scan3A_39 = arith.constant 1 : i32
      %scan3A_40 = scf.for %scan3A_48 = %scan3A_36 to %scan3A_38 step %scan3A_39 iter_args(%scan3A_49 = %scan3A_35) -> (i32)  : i32 {
        %scan3A_50 = arith.constant 0 : i32
        %scan3A_51 = arith.constant 0 : i32
        %scan3A_52 = arith.constant 64 : i32
        %scan3A_53 = arith.addi %scan3A_51, %scan3A_52 : i32
        %scan3A_54 = arith.constant 1 : i32
        %scan3A_55 = scf.for %scan3A_58 = %scan3A_51 to %scan3A_53 step %scan3A_54 iter_args(%scan3A_59 = %scan3A_50) -> (i32)  : i32 {
          %mul3A_60 = arith.constant 16 : i32
          %mul3A_61 = arith.muli %scan3A_58, %mul3A_60 : i32
          %get3A = arith.index_cast %scan3A_48 : i32 to index
          %get3A_62 = arith.index_cast %mul3A_61 : i32 to index
          %get3A_63 = tpu.vector_load %arg8[%get3A, %get3A_62] {strides = array<i32>} : memref<32x1024xf32, #tpu.memory_space<vmem>>, vector<1x16xf32>,
          %get3A_64 = vector.shape_cast %get3A_63 : vector<1x16xf32> to vector<16xf32>
          %mul3A_65 = arith.constant 16 : i32
          %mul3A_66 = arith.muli %scan3A_58, %mul3A_65 : i32
          %get3A_67 = arith.index_cast %scan3A_48 : i32 to index
          %get3A_68 = arith.index_cast %mul3A_66 : i32 to index
          %get3A_69 = tpu.vector_load %arg9[%get3A_67, %get3A_68] {strides = array<i32>} : memref<32x1024xf32, #tpu.memory_space<vmem>>, vector<1x16xf32>,
          %get3A_70 = vector.shape_cast %get3A_69 : vector<1x16xf32> to vector<16xf32>
          %add3A_71 = arith.addf %get3A_64, %get3A_70 : vector<16xf32>
          %mul3A_72 = arith.constant 16 : i32
          %mul3A_73 = arith.muli %scan3A_58, %mul3A_72 : i32
          %swap3A = arith.index_cast %scan3A_48 : i32 to index
          %swap3A_74 = arith.index_cast %mul3A_73 : i32 to index
          %swap3A_75 = tpu.vector_load %arg10[%swap3A, %swap3A_74] {strides = array<i32>} : memref<32x1024xf32, #tpu.memory_space<vmem>>, vector<1x16xf32>,
          %swap3A_76 = vector.shape_cast %swap3A_75 : vector<1x16xf32> to vector<16xf32>
          %swap3A_77 = vector.shape_cast %add3A_71 : vector<16xf32> to vector<1x16xf32>
          tpu.vector_store %arg10[%swap3A, %swap3A_74], %swap3A_77 {strides = array<i32>} : memref<32x1024xf32, #tpu.memory_space<vmem>>, vector<1x16xf32>,
          %scan3A_78 = arith.constant 0 : i32
          scf.yield %scan3A_78 : i32
        }
        %scan3A_56 = arith.constant 64 : i32
        %scan3A_57 = arith.constant 0 : i32
        scf.yield %scan3A_57 : i32
      }
      %scan3A_41 = arith.constant 32 : i32
      %mul3A_42 = arith.constant 64 : i32
      %mul3A_43 = arith.muli %add3A, %mul3A_42 : i32
      %mul3A_44 = arith.constant 32 : i32
      %mul3A_45 = arith.muli %scan3A_7, %mul3A_44 : i32
      %add3A_46 = arith.addi %mul3A_43, %mul3A_45 : i32
      "tpu.region"() ({
        %run_scoped3A = tpu.sem_alloc : memref<!tpu.dma_semaphore, #tpu.memory_space<semaphore_mem>>
        %dma_start3A_48 = arith.constant 0 : i32
        %dma_start3A_49 = tpu.memref_slice %arg5[%add3A_46, %dma_start3A_48] : memref<2048x1024xf32, #tpu.memory_space<hbm>> -> memref<32x1024xf32, #tpu.memory_space<hbm>>
        %dma_start3A_50 = arith.constant 0 : i32
        %dma_start3A_51 = tpu.memref_slice %arg5[%add3A_46, %dma_start3A_50] : memref<2048x1024xf32, #tpu.memory_space<hbm>> -> memref<32x1024xf32, #tpu.memory_space<hbm>>
        tpu.enqueue_dma source(%arg10 : memref<32x1024xf32, #tpu.memory_space<vmem>>) target(%dma_start3A_51 : memref<32x1024xf32, #tpu.memory_space<hbm>>) target_semaphore(%run_scoped3A : memref<!tpu.dma_semaphore, #tpu.memory_space<semaphore_mem>>)
        %dma_wait3A_52 = arith.constant 0 : i32
        %dma_wait3A_53 = tpu.memref_slice %arg5[%add3A_46, %dma_wait3A_52] : memref<2048x1024xf32, #tpu.memory_space<hbm>> -> memref<32x1024xf32, #tpu.memory_space<hbm>>
        %dma_wait3A_54 = arith.constant 0 : i32
        %dma_wait3A_55 = tpu.memref_slice %arg5[%add3A_46, %dma_wait3A_54] : memref<2048x1024xf32, #tpu.memory_space<hbm>> -> memref<32x1024xf32, #tpu.memory_space<hbm>>
        tpu.wait_dma2 semaphore(%run_scoped3A : memref<!tpu.dma_semaphore, #tpu.memory_space<semaphore_mem>>) src(%arg10 : memref<32x1024xf32, #tpu.memory_space<vmem>>) dst(%dma_wait3A_55 : memref<32x1024xf32, #tpu.memory_space<hbm>>)
        tpu.yield
      }) : () -> ()
      %scan3A_47 = arith.constant 0 : i32
      scf.yield %scan3A_47 : i32
    }
    %scan3A_6 = arith.constant 2 : i32
    return
  }
}

module attributes {stable_mosaic.version = 14 : i64} {
  func.func @_router_body(%arg0: memref<2048x1024xf32, #tpu.memory_space<vmem>>, %arg1: memref<1024x8xf32, #tpu.memory_space<vmem>>, %arg2: memref<2048x8xf32, #tpu.memory_space<vmem>>, %arg3: memref<2048x8xi32, #tpu.memory_space<vmem>>, %arg4: memref<2048x256xf32, #tpu.memory_space<vmem>>, %arg5: memref<8x64xi32, #tpu.memory_space<vmem>>) attributes {dimension_semantics = [], scalar_prefetch = 0 : i64, scratch_operands = 0 : i64, tpu.core_type = #tpu.core_type<tc>} {
    %get3A = arith.constant 0 : index
    %get3A_0 = arith.constant 0 : index
    %get3A_1 = vector.load %arg0[%get3A, %get3A_0] : memref<2048x1024xf32, #tpu.memory_space<vmem>>, vector<2048x1024xf32>
    %get3A_2 = arith.constant 0 : index
    %get3A_3 = arith.constant 0 : index
    %get3A_4 = vector.load %arg1[%get3A_2, %get3A_3] : memref<1024x8xf32, #tpu.memory_space<vmem>>, vector<1024x8xf32>
    %dot_general3A = arith.constant dense<0.000000e+00> : vector<2048x8xf32>
    %dot_general3A_5 = tpu.matmul %get3A_1, %get3A_4, %dot_general3A {dimension_numbers = #tpu.dot_dimension_numbers<[1], [0], [0], [1], [0, 0, 1, 1], [], []>, transpose_lhs_hint = false} : vector<2048x1024xf32>, vector<1024x8xf32>, vector<2048x8xf32> -> vector<2048x8xf32>
    %swap3A = arith.constant 0 : index
    %swap3A_6 = arith.constant 0 : index
    %swap3A_7 = vector.load %arg2[%swap3A, %swap3A_6] : memref<2048x8xf32, #tpu.memory_space<vmem>>, vector<2048x8xf32>
    tpu.vector_store %arg2[%swap3A, %swap3A_6], %dot_general3A_5 {strides = array<i32>} : memref<2048x8xf32, #tpu.memory_space<vmem>>, vector<2048x8xf32>,
    %iota3A = tpu.iota {dimensions = array<i32: 1>} : vector<2048x8xi32>
    %reduce_max3A = arith.constant dense<0xFF800000> : vector<2048xf32>
    %reduce_max3A_8 = vector.multi_reduction <maximumf>, %dot_general3A_5, %reduce_max3A [1] : vector<2048x8xf32> to vector<2048xf32>
    %broadcast_in_dim3A = vector.shape_cast %reduce_max3A_8 : vector<2048xf32> to vector<2048x1xf32>
    %eq3A = vector.broadcast %broadcast_in_dim3A : vector<2048x1xf32> to vector<2048x8xf32>
    %eq3A_9 = arith.cmpf oeq, %dot_general3A_5, %eq3A : vector<2048x8xf32>
    %jit3A = arith.constant 8 : i32
    %broadcast_in_dim3A_10 = vector.broadcast %jit3A : i32 to vector<2048x8xi32>
    %select_n3A = arith.select %eq3A_9, %iota3A, %broadcast_in_dim3A_10 : vector<2048x8xi1>, vector<2048x8xi32>
    %reduce_min3A = arith.constant dense<2147483647> : vector<2048xi32>
    %reduce_min3A_11 = vector.multi_reduction <minsi>, %select_n3A, %reduce_min3A [1] : vector<2048x8xi32> to vector<2048xi32>
    %broadcast_in_dim3A_12 = vector.shape_cast %reduce_min3A_11 : vector<2048xi32> to vector<2048x1xi32>
    %eq3A_13 = vector.broadcast %broadcast_in_dim3A_12 : vector<2048x1xi32> to vector<2048x8xi32>
    %eq3A_14 = arith.cmpi eq, %iota3A, %eq3A_13 : vector<2048x8xi32>
    %jit3A_15 = arith.constant -1.000000e+30 : f32
    %broadcast_in_dim3A_16 = vector.broadcast %jit3A_15 : f32 to vector<2048x8xf32>
    %select_n3A_17 = arith.select %eq3A_14, %broadcast_in_dim3A_16, %dot_general3A_5 : vector<2048x8xi1>, vector<2048x8xf32>
    %reduce_max3A_18 = arith.constant dense<0xFF800000> : vector<2048xf32>
    %reduce_max3A_19 = vector.multi_reduction <maximumf>, %select_n3A_17, %reduce_max3A_18 [1] : vector<2048x8xf32> to vector<2048xf32>
    %broadcast_in_dim3A_20 = vector.shape_cast %reduce_max3A_19 : vector<2048xf32> to vector<2048x1xf32>
    %eq3A_21 = vector.broadcast %broadcast_in_dim3A_20 : vector<2048x1xf32> to vector<2048x8xf32>
    %eq3A_22 = arith.cmpf oeq, %select_n3A_17, %eq3A_21 : vector<2048x8xf32>
    %jit3A_23 = arith.constant 8 : i32
    %broadcast_in_dim3A_24 = vector.broadcast %jit3A_23 : i32 to vector<2048x8xi32>
    %select_n3A_25 = arith.select %eq3A_22, %iota3A, %broadcast_in_dim3A_24 : vector<2048x8xi1>, vector<2048x8xi32>
    %reduce_min3A_26 = arith.constant dense<2147483647> : vector<2048xi32>
    %reduce_min3A_27 = vector.multi_reduction <minsi>, %select_n3A_25, %reduce_min3A_26 [1] : vector<2048x8xi32> to vector<2048xi32>
    %broadcast_in_dim3A_28 = vector.shape_cast %reduce_min3A_27 : vector<2048xi32> to vector<2048x1xi32>
    %eq3A_29 = vector.broadcast %broadcast_in_dim3A_28 : vector<2048x1xi32> to vector<2048x8xi32>
    %eq3A_30 = arith.cmpi eq, %iota3A, %eq3A_29 : vector<2048x8xi32>
    %sub3A = arith.subf %broadcast_in_dim3A_20, %broadcast_in_dim3A : vector<2048x1xf32>
    %exp3A = math.exp %sub3A : vector<2048x1xf32>
    %add3A = arith.constant 1.000000e+00 : f32
    %add3A_31 = vector.broadcast %add3A : f32 to vector<2048x1xf32>
    %add3A_32 = arith.addf %add3A_31, %exp3A : vector<2048x1xf32>
    %div3A = arith.constant 1.000000e+00 : f32
    %div3A_33 = vector.broadcast %div3A : f32 to vector<2048x1xf32>
    %div3A_34 = arith.divf %div3A_33, %add3A_32 : vector<2048x1xf32>
    %sub3A_35 = arith.constant 1.000000e+00 : f32
    %sub3A_36 = vector.broadcast %sub3A_35 : f32 to vector<2048x1xf32>
    %sub3A_37 = arith.subf %sub3A_36, %div3A_34 : vector<2048x1xf32>
    %convert_element_type3A = arith.extui %eq3A_14 : vector<2048x8xi1> to vector<2048x8xi32>
    %convert_element_type3A_38 = arith.sitofp %convert_element_type3A : vector<2048x8xi32> to vector<2048x8xf32>
    %convert_element_type3A_39 = arith.extui %eq3A_30 : vector<2048x8xi1> to vector<2048x8xi32>
    %convert_element_type3A_40 = arith.sitofp %convert_element_type3A_39 : vector<2048x8xi32> to vector<2048x8xf32>
    %add3A_41 = arith.addf %convert_element_type3A_38, %convert_element_type3A_40 : vector<2048x8xf32>
    %broadcast_in_dim3A_42 = arith.constant 0.000000e+00 : f32
    %broadcast_in_dim3A_43 = vector.broadcast %broadcast_in_dim3A_42 : f32 to vector<1x8xf32>
    %slice3A = vector.extract_strided_slice %add3A_41 {offsets = [0, 0], sizes = [2047, 8], strides = [1, 1]} : vector<2048x8xf32> to vector<2047x8xf32>
    %concatenate3A = tpu.concatenate %broadcast_in_dim3A_43, %slice3A in 0 : vector<1x8xf32>, vector<2047x8xf32> -> vector<2048x8xf32>
    %add3A_44 = arith.addf %add3A_41, %concatenate3A : vector<2048x8xf32>
    %broadcast_in_dim3A_45 = arith.constant 0.000000e+00 : f32
    %broadcast_in_dim3A_46 = vector.broadcast %broadcast_in_dim3A_45 : f32 to vector<2x8xf32>
    %slice3A_47 = vector.extract_strided_slice %add3A_44 {offsets = [0, 0], sizes = [2046, 8], strides = [1, 1]} : vector<2048x8xf32> to vector<2046x8xf32>
    %concatenate3A_48 = tpu.concatenate %broadcast_in_dim3A_46, %slice3A_47 in 0 : vector<2x8xf32>, vector<2046x8xf32> -> vector<2048x8xf32>
    %add3A_49 = arith.addf %add3A_44, %concatenate3A_48 : vector<2048x8xf32>
    %broadcast_in_dim3A_50 = arith.constant 0.000000e+00 : f32
    %broadcast_in_dim3A_51 = vector.broadcast %broadcast_in_dim3A_50 : f32 to vector<4x8xf32>
    %slice3A_52 = vector.extract_strided_slice %add3A_49 {offsets = [0, 0], sizes = [2044, 8], strides = [1, 1]} : vector<2048x8xf32> to vector<2044x8xf32>
    %concatenate3A_53 = tpu.concatenate %broadcast_in_dim3A_51, %slice3A_52 in 0 : vector<4x8xf32>, vector<2044x8xf32> -> vector<2048x8xf32>
    %add3A_54 = arith.addf %add3A_49, %concatenate3A_53 : vector<2048x8xf32>
    %broadcast_in_dim3A_55 = arith.constant 0.000000e+00 : f32
    %broadcast_in_dim3A_56 = vector.broadcast %broadcast_in_dim3A_55 : f32 to vector<8x8xf32>
    %slice3A_57 = vector.extract_strided_slice %add3A_54 {offsets = [0, 0], sizes = [2040, 8], strides = [1, 1]} : vector<2048x8xf32> to vector<2040x8xf32>
    %concatenate3A_58 = tpu.concatenate %broadcast_in_dim3A_56, %slice3A_57 in 0 : vector<8x8xf32>, vector<2040x8xf32> -> vector<2048x8xf32>
    %add3A_59 = arith.addf %add3A_54, %concatenate3A_58 : vector<2048x8xf32>
    %broadcast_in_dim3A_60 = arith.constant 0.000000e+00 : f32
    %broadcast_in_dim3A_61 = vector.broadcast %broadcast_in_dim3A_60 : f32 to vector<16x8xf32>
    %slice3A_62 = vector.extract_strided_slice %add3A_59 {offsets = [0, 0], sizes = [2032, 8], strides = [1, 1]} : vector<2048x8xf32> to vector<2032x8xf32>
    %concatenate3A_63 = tpu.concatenate %broadcast_in_dim3A_61, %slice3A_62 in 0 : vector<16x8xf32>, vector<2032x8xf32> -> vector<2048x8xf32>
    %add3A_64 = arith.addf %add3A_59, %concatenate3A_63 : vector<2048x8xf32>
    %broadcast_in_dim3A_65 = arith.constant 0.000000e+00 : f32
    %broadcast_in_dim3A_66 = vector.broadcast %broadcast_in_dim3A_65 : f32 to vector<32x8xf32>
    %slice3A_67 = vector.extract_strided_slice %add3A_64 {offsets = [0, 0], sizes = [2016, 8], strides = [1, 1]} : vector<2048x8xf32> to vector<2016x8xf32>
    %concatenate3A_68 = tpu.concatenate %broadcast_in_dim3A_66, %slice3A_67 in 0 : vector<32x8xf32>, vector<2016x8xf32> -> vector<2048x8xf32>
    %add3A_69 = arith.addf %add3A_64, %concatenate3A_68 : vector<2048x8xf32>
    %broadcast_in_dim3A_70 = arith.constant 0.000000e+00 : f32
    %broadcast_in_dim3A_71 = vector.broadcast %broadcast_in_dim3A_70 : f32 to vector<64x8xf32>
    %slice3A_72 = vector.extract_strided_slice %add3A_69 {offsets = [0, 0], sizes = [1984, 8], strides = [1, 1]} : vector<2048x8xf32> to vector<1984x8xf32>
    %concatenate3A_73 = tpu.concatenate %broadcast_in_dim3A_71, %slice3A_72 in 0 : vector<64x8xf32>, vector<1984x8xf32> -> vector<2048x8xf32>
    %add3A_74 = arith.addf %add3A_69, %concatenate3A_73 : vector<2048x8xf32>
    %broadcast_in_dim3A_75 = arith.constant 0.000000e+00 : f32
    %broadcast_in_dim3A_76 = vector.broadcast %broadcast_in_dim3A_75 : f32 to vector<128x8xf32>
    %slice3A_77 = vector.extract_strided_slice %add3A_74 {offsets = [0, 0], sizes = [1920, 8], strides = [1, 1]} : vector<2048x8xf32> to vector<1920x8xf32>
    %concatenate3A_78 = tpu.concatenate %broadcast_in_dim3A_76, %slice3A_77 in 0 : vector<128x8xf32>, vector<1920x8xf32> -> vector<2048x8xf32>
    %add3A_79 = arith.addf %add3A_74, %concatenate3A_78 : vector<2048x8xf32>
    %broadcast_in_dim3A_80 = arith.constant 0.000000e+00 : f32
    %broadcast_in_dim3A_81 = vector.broadcast %broadcast_in_dim3A_80 : f32 to vector<256x8xf32>
    %slice3A_82 = vector.extract_strided_slice %add3A_79 {offsets = [0, 0], sizes = [1792, 8], strides = [1, 1]} : vector<2048x8xf32> to vector<1792x8xf32>
    %concatenate3A_83 = tpu.concatenate %broadcast_in_dim3A_81, %slice3A_82 in 0 : vector<256x8xf32>, vector<1792x8xf32> -> vector<2048x8xf32>
    %add3A_84 = arith.addf %add3A_79, %concatenate3A_83 : vector<2048x8xf32>
    %broadcast_in_dim3A_85 = arith.constant 0.000000e+00 : f32
    %broadcast_in_dim3A_86 = vector.broadcast %broadcast_in_dim3A_85 : f32 to vector<512x8xf32>
    %slice3A_87 = vector.extract_strided_slice %add3A_84 {offsets = [0, 0], sizes = [1536, 8], strides = [1, 1]} : vector<2048x8xf32> to vector<1536x8xf32>
    %concatenate3A_88 = tpu.concatenate %broadcast_in_dim3A_86, %slice3A_87 in 0 : vector<512x8xf32>, vector<1536x8xf32> -> vector<2048x8xf32>
    %add3A_89 = arith.addf %add3A_84, %concatenate3A_88 : vector<2048x8xf32>
    %broadcast_in_dim3A_90 = arith.constant 0.000000e+00 : f32
    %broadcast_in_dim3A_91 = vector.broadcast %broadcast_in_dim3A_90 : f32 to vector<1024x8xf32>
    %slice3A_92 = vector.extract_strided_slice %add3A_89 {offsets = [0, 0], sizes = [1024, 8], strides = [1, 1]} : vector<2048x8xf32> to vector<1024x8xf32>
    %concatenate3A_93 = tpu.concatenate %broadcast_in_dim3A_91, %slice3A_92 in 0 : vector<1024x8xf32>, vector<1024x8xf32> -> vector<2048x8xf32>
    %add3A_94 = arith.addf %add3A_89, %concatenate3A_93 : vector<2048x8xf32>
    %sub3A_95 = arith.subf %add3A_94, %add3A_41 : vector<2048x8xf32>
    %slice3A_96 = vector.extract_strided_slice %add3A_94 {offsets = [2047, 0], sizes = [1, 8], strides = [1, 1]} : vector<2048x8xf32> to vector<1x8xf32>
    %div3A_97 = arith.constant 1.280000e+02 : f32
    %div3A_98 = vector.broadcast %div3A_97 : f32 to vector<1x8xf32>
    %div3A_99 = arith.divf %slice3A_96, %div3A_98 : vector<1x8xf32>
    %ceil3A = math.ceil %div3A_99 : vector<1x8xf32>
    %mul3A = arith.constant 1.280000e+02 : f32
    %mul3A_100 = vector.broadcast %mul3A : f32 to vector<1x8xf32>
    %mul3A_101 = arith.mulf %ceil3A, %mul3A_100 : vector<1x8xf32>
    %iota3A_102 = tpu.iota {dimensions = array<i32: 0>} : vector<8x8xi32>
    %iota3A_103 = tpu.iota {dimensions = array<i32: 1>} : vector<8x8xi32>
    %lt3A = arith.cmpi slt, %iota3A_102, %iota3A_103 : vector<8x8xi32>
    %convert_element_type3A_104 = arith.extui %lt3A : vector<8x8xi1> to vector<8x8xi32>
    %convert_element_type3A_105 = arith.sitofp %convert_element_type3A_104 : vector<8x8xi32> to vector<8x8xf32>
    %dot_general3A_106 = arith.constant dense<0.000000e+00> : vector<1x8xf32>
    %dot_general3A_107 = tpu.matmul %mul3A_101, %convert_element_type3A_105, %dot_general3A_106 {dimension_numbers = #tpu.dot_dimension_numbers<[1], [0], [0], [1], [0, 0, 1, 1], [], []>, transpose_lhs_hint = false} : vector<1x8xf32>, vector<8x8xf32>, vector<1x8xf32> -> vector<1x8xf32>
    %add3A_108 = vector.broadcast %dot_general3A_107 : vector<1x8xf32> to vector<2048x8xf32>
    %add3A_109 = arith.addf %add3A_108, %sub3A_95 : vector<2048x8xf32>
    %jit3A_110 = arith.constant 0.000000e+00 : f32
    %broadcast_in_dim3A_111 = vector.broadcast %jit3A_110 : f32 to vector<2048x8xf32>
    %select_n3A_112 = arith.select %eq3A_14, %add3A_109, %broadcast_in_dim3A_111 : vector<2048x8xi1>, vector<2048x8xf32>
    %reduce_sum3A = arith.constant dense<0.000000e+00> : vector<2048xf32>
    %reduce_sum3A_113 = vector.multi_reduction <add>, %select_n3A_112, %reduce_sum3A [1] : vector<2048x8xf32> to vector<2048xf32>
    %broadcast_in_dim3A_114 = vector.shape_cast %reduce_sum3A_113 : vector<2048xf32> to vector<2048x1xf32>
    %jit3A_115 = arith.constant 0.000000e+00 : f32
    %broadcast_in_dim3A_116 = vector.broadcast %jit3A_115 : f32 to vector<2048x8xf32>
    %select_n3A_117 = arith.select %eq3A_30, %add3A_109, %broadcast_in_dim3A_116 : vector<2048x8xi1>, vector<2048x8xf32>
    %reduce_sum3A_118 = arith.constant dense<0.000000e+00> : vector<2048xf32>
    %reduce_sum3A_119 = vector.multi_reduction <add>, %select_n3A_117, %reduce_sum3A_118 [1] : vector<2048x8xf32> to vector<2048xf32>
    %broadcast_in_dim3A_120 = vector.shape_cast %reduce_sum3A_119 : vector<2048xf32> to vector<2048x1xf32>
    %eq3A_121 = arith.constant 0 : i32
    %eq3A_122 = vector.broadcast %eq3A_121 : i32 to vector<2048x8xi32>
    %eq3A_123 = arith.cmpi eq, %iota3A, %eq3A_122 : vector<2048x8xi32>
    %eq3A_124 = arith.constant 1 : i32
    %eq3A_125 = vector.broadcast %eq3A_124 : i32 to vector<2048x8xi32>
    %eq3A_126 = arith.cmpi eq, %iota3A, %eq3A_125 : vector<2048x8xi32>
    %jit3A_127 = arith.constant 0.000000e+00 : f32
    %broadcast_in_dim3A_128 = vector.shape_cast %broadcast_in_dim3A_120 : vector<2048x1xf32> to vector<2048x1xf32>
    %broadcast_in_dim3A_129 = vector.broadcast %broadcast_in_dim3A_128 : vector<2048x1xf32> to vector<2048x8xf32>
    %broadcast_in_dim3A_130 = vector.broadcast %jit3A_127 : f32 to vector<2048x8xf32>
    %select_n3A_131 = arith.select %eq3A_126, %broadcast_in_dim3A_129, %broadcast_in_dim3A_130 : vector<2048x8xi1>, vector<2048x8xf32>
    %broadcast_in_dim3A_132 = vector.shape_cast %broadcast_in_dim3A_114 : vector<2048x1xf32> to vector<2048x1xf32>
    %broadcast_in_dim3A_133 = vector.broadcast %broadcast_in_dim3A_132 : vector<2048x1xf32> to vector<2048x8xf32>
    %select_n3A_134 = arith.select %eq3A_123, %broadcast_in_dim3A_133, %select_n3A_131 : vector<2048x8xi1>, vector<2048x8xf32>
    %convert_element_type3A_135 = arith.fptosi %select_n3A_134 : vector<2048x8xf32> to vector<2048x8xi32>
    %swap3A_136 = arith.constant 0 : index
    %swap3A_137 = arith.constant 0 : index
    %swap3A_138 = vector.load %arg3[%swap3A_136, %swap3A_137] : memref<2048x8xi32, #tpu.memory_space<vmem>>, vector<2048x8xi32>
    tpu.vector_store %arg3[%swap3A_136, %swap3A_137], %convert_element_type3A_135 {strides = array<i32>} : memref<2048x8xi32, #tpu.memory_space<vmem>>, vector<2048x8xi32>,
    %iota3A_139 = tpu.iota {dimensions = array<i32: 1>} : vector<2048x256xi32>
    %lt3A_140 = arith.constant 128 : i32
    %lt3A_141 = vector.broadcast %lt3A_140 : i32 to vector<2048x256xi32>
    %lt3A_142 = arith.cmpi slt, %iota3A_139, %lt3A_141 : vector<2048x256xi32>
    %broadcast_in_dim3A_143 = vector.shape_cast %div3A_34 : vector<2048x1xf32> to vector<2048x1xf32>
    %broadcast_in_dim3A_144 = vector.broadcast %broadcast_in_dim3A_143 : vector<2048x1xf32> to vector<2048x256xf32>
    %broadcast_in_dim3A_145 = vector.shape_cast %sub3A_37 : vector<2048x1xf32> to vector<2048x1xf32>
    %broadcast_in_dim3A_146 = vector.broadcast %broadcast_in_dim3A_145 : vector<2048x1xf32> to vector<2048x256xf32>
    %select_n3A_147 = arith.select %lt3A_142, %broadcast_in_dim3A_144, %broadcast_in_dim3A_146 : vector<2048x256xi1>, vector<2048x256xf32>
    %swap3A_148 = arith.constant 0 : index
    %swap3A_149 = arith.constant 0 : index
    %swap3A_150 = vector.load %arg4[%swap3A_148, %swap3A_149] : memref<2048x256xf32, #tpu.memory_space<vmem>>, vector<2048x256xf32>
    tpu.vector_store %arg4[%swap3A_148, %swap3A_149], %select_n3A_147 {strides = array<i32>} : memref<2048x256xf32, #tpu.memory_space<vmem>>, vector<2048x256xf32>,
    %eq3A_151 = arith.cmpi eq, %iota3A_102, %iota3A_103 : vector<8x8xi32>
    %convert_element_type3A_152 = arith.extui %eq3A_151 : vector<8x8xi1> to vector<8x8xi32>
    %convert_element_type3A_153 = arith.sitofp %convert_element_type3A_152 : vector<8x8xi32> to vector<8x8xf32>
    %broadcast_in_dim3A_154 = arith.constant 1.000000e+00 : f32
    %broadcast_in_dim3A_155 = vector.broadcast %broadcast_in_dim3A_154 : f32 to vector<8x1xf32>
    %dot_general3A_156 = arith.constant dense<0.000000e+00> : vector<8x8xf32>
    %dot_general3A_157 = tpu.matmul %broadcast_in_dim3A_155, %mul3A_101, %dot_general3A_156 {dimension_numbers = #tpu.dot_dimension_numbers<[1], [0], [0], [1], [0, 0, 1, 1], [], []>, transpose_lhs_hint = false} : vector<8x1xf32>, vector<1x8xf32>, vector<8x8xf32> -> vector<8x8xf32>
    %mul3A_158 = arith.mulf %dot_general3A_157, %convert_element_type3A_153 : vector<8x8xf32>
    %reduce_sum3A_159 = arith.constant dense<0.000000e+00> : vector<8xf32>
    %reduce_sum3A_160 = vector.multi_reduction <add>, %mul3A_158, %reduce_sum3A_159 [1] : vector<8x8xf32> to vector<8xf32>
    %broadcast_in_dim3A_161 = vector.shape_cast %reduce_sum3A_160 : vector<8xf32> to vector<8x1xf32>
    %lt3A_162 = arith.cmpi slt, %iota3A_103, %iota3A_102 : vector<8x8xi32>
    %convert_element_type3A_163 = arith.extui %lt3A_162 : vector<8x8xi1> to vector<8x8xi32>
    %convert_element_type3A_164 = arith.sitofp %convert_element_type3A_163 : vector<8x8xi32> to vector<8x8xf32>
    %dot_general3A_165 = arith.constant dense<0.000000e+00> : vector<8x1xf32>
    %dot_general3A_166 = tpu.matmul %convert_element_type3A_164, %broadcast_in_dim3A_161, %dot_general3A_165 {dimension_numbers = #tpu.dot_dimension_numbers<[1], [0], [0], [1], [0, 0, 1, 1], [], []>, transpose_lhs_hint = false} : vector<8x8xf32>, vector<8x1xf32>, vector<8x1xf32> -> vector<8x1xf32>
    %iota3A_167 = tpu.iota {dimensions = array<i32: 1>} : vector<8x64xi32>
    %mul3A_168 = arith.constant 128 : i32
    %mul3A_169 = vector.broadcast %mul3A_168 : i32 to vector<8x64xi32>
    %mul3A_170 = arith.muli %iota3A_167, %mul3A_169 : vector<8x64xi32>
    %convert_element_type3A_171 = arith.sitofp %mul3A_170 : vector<8x64xi32> to vector<8x64xf32>
    %le3A = vector.broadcast %dot_general3A_166 : vector<8x1xf32> to vector<8x64xf32>
    %le3A_172 = arith.cmpf ole, %le3A, %convert_element_type3A_171 : vector<8x64xf32>
    %convert_element_type3A_173 = arith.extui %le3A_172 : vector<8x64xi1> to vector<8x64xi32>
    %convert_element_type3A_174 = arith.sitofp %convert_element_type3A_173 : vector<8x64xi32> to vector<8x64xf32>
    %reduce_sum3A_175 = arith.constant dense<0.000000e+00> : vector<64xf32>
    %reduce_sum3A_176 = vector.multi_reduction <add>, %convert_element_type3A_174, %reduce_sum3A_175 [0] : vector<8x64xf32> to vector<64xf32>
    %broadcast_in_dim3A_177 = vector.shape_cast %reduce_sum3A_176 : vector<64xf32> to vector<1x64xf32>
    %sub3A_178 = arith.constant 1.000000e+00 : f32
    %sub3A_179 = vector.broadcast %sub3A_178 : f32 to vector<1x64xf32>
    %sub3A_180 = arith.subf %broadcast_in_dim3A_177, %sub3A_179 : vector<1x64xf32>
    %max3A = arith.constant 0.000000e+00 : f32
    %max3A_181 = vector.broadcast %max3A : f32 to vector<1x64xf32>
    %max3A_182 = arith.maximumf %sub3A_180, %max3A_181 : vector<1x64xf32>
    %iota3A_183 = tpu.iota {dimensions = array<i32: 1>} : vector<1x64xi32>
    %broadcast_in_dim3A_184 = arith.constant -1.000000e+00 : f32
    %broadcast_in_dim3A_185 = vector.broadcast %broadcast_in_dim3A_184 : f32 to vector<1x1xf32>
    %slice3A_186 = vector.extract_strided_slice %max3A_182 {offsets = [0, 0], sizes = [1, 63], strides = [1, 1]} : vector<1x64xf32> to vector<1x63xf32>
    %concatenate3A_187 = tpu.concatenate %broadcast_in_dim3A_185, %slice3A_186 in 1 : vector<1x1xf32>, vector<1x63xf32> -> vector<1x64xf32>
    %ne3A = arith.cmpf one, %max3A_182, %concatenate3A_187 : vector<1x64xf32>
    %convert_element_type3A_188 = arith.extui %ne3A : vector<1x64xi1> to vector<1x64xi32>
    %convert_element_type3A_189 = arith.sitofp %convert_element_type3A_188 : vector<1x64xi32> to vector<1x64xf32>
    %iota3A_190 = tpu.iota {dimensions = array<i32: 0>} : vector<64x64xi32>
    %iota3A_191 = tpu.iota {dimensions = array<i32: 1>} : vector<64x64xi32>
    %convert_element_type3A_192 = arith.sitofp %iota3A_191 : vector<64x64xi32> to vector<64x64xf32>
    %broadcast_in_dim3A_193 = arith.constant 1.000000e+00 : f32
    %broadcast_in_dim3A_194 = vector.broadcast %broadcast_in_dim3A_193 : f32 to vector<64x1xf32>
    %dot_general3A_195 = arith.constant dense<0.000000e+00> : vector<64x64xf32>
    %dot_general3A_196 = tpu.matmul %broadcast_in_dim3A_194, %convert_element_type3A_189, %dot_general3A_195 {dimension_numbers = #tpu.dot_dimension_numbers<[1], [0], [0], [1], [0, 0, 1, 1], [], []>, transpose_lhs_hint = false} : vector<64x1xf32>, vector<1x64xf32>, vector<64x64xf32> -> vector<64x64xf32>
    %gt3A = arith.cmpi sgt, %iota3A_191, %iota3A_190 : vector<64x64xi32>
    %convert_element_type3A_197 = arith.extui %gt3A : vector<64x64xi1> to vector<64x64xi32>
    %convert_element_type3A_198 = arith.sitofp %convert_element_type3A_197 : vector<64x64xi32> to vector<64x64xf32>
    %mul3A_199 = arith.mulf %dot_general3A_196, %convert_element_type3A_198 : vector<64x64xf32>
    %gt3A_200 = arith.constant 0.000000e+00 : f32
    %gt3A_201 = vector.broadcast %gt3A_200 : f32 to vector<64x64xf32>
    %gt3A_202 = arith.cmpf ogt, %mul3A_199, %gt3A_201 : vector<64x64xf32>
    %jit3A_203 = arith.constant 1.000000e+09 : f32
    %broadcast_in_dim3A_204 = vector.broadcast %jit3A_203 : f32 to vector<64x64xf32>
    %select_n3A_205 = arith.select %gt3A_202, %convert_element_type3A_192, %broadcast_in_dim3A_204 : vector<64x64xi1>, vector<64x64xf32>
    %reduce_min3A_206 = arith.constant dense<0x7F800000> : vector<64xf32>
    %reduce_min3A_207 = vector.multi_reduction <minimumf>, %select_n3A_205, %reduce_min3A_206 [1] : vector<64x64xf32> to vector<64xf32>
    %broadcast_in_dim3A_208 = vector.shape_cast %reduce_min3A_207 : vector<64xf32> to vector<64x1xf32>
    %gt3A_209 = arith.constant 6.350000e+01 : f32
    %gt3A_210 = vector.broadcast %gt3A_209 : f32 to vector<64x1xf32>
    %gt3A_211 = arith.cmpf ogt, %broadcast_in_dim3A_208, %gt3A_210 : vector<64x1xf32>
    %convert_element_type3A_212 = arith.extui %gt3A_211 : vector<64x1xi1> to vector<64x1xi32>
    %convert_element_type3A_213 = arith.sitofp %convert_element_type3A_212 : vector<64x1xi32> to vector<64x1xf32>
    %dot_general3A_214 = arith.constant dense<0.000000e+00> : vector<64x64xf32>
    %dot_general3A_215 = tpu.matmul %broadcast_in_dim3A_194, %max3A_182, %dot_general3A_214 {dimension_numbers = #tpu.dot_dimension_numbers<[1], [0], [0], [1], [0, 0, 1, 1], [], []>, transpose_lhs_hint = false} : vector<64x1xf32>, vector<1x64xf32>, vector<64x64xf32> -> vector<64x64xf32>
    %eq3A_216 = vector.broadcast %broadcast_in_dim3A_208 : vector<64x1xf32> to vector<64x64xf32>
    %eq3A_217 = arith.cmpf oeq, %convert_element_type3A_192, %eq3A_216 : vector<64x64xf32>
    %convert_element_type3A_218 = arith.extui %eq3A_217 : vector<64x64xi1> to vector<64x64xi32>
    %convert_element_type3A_219 = arith.sitofp %convert_element_type3A_218 : vector<64x64xi32> to vector<64x64xf32>
    %mul3A_220 = arith.mulf %convert_element_type3A_219, %dot_general3A_215 : vector<64x64xf32>
    %reduce_sum3A_221 = arith.constant dense<0.000000e+00> : vector<64xf32>
    %reduce_sum3A_222 = vector.multi_reduction <add>, %mul3A_220, %reduce_sum3A_221 [1] : vector<64x64xf32> to vector<64xf32>
    %broadcast_in_dim3A_223 = vector.shape_cast %reduce_sum3A_222 : vector<64xf32> to vector<64x1xf32>
    %eq3A_224 = arith.constant 0 : i32
    %eq3A_225 = vector.broadcast %eq3A_224 : i32 to vector<1x64xi32>
    %eq3A_226 = arith.cmpi eq, %iota3A_183, %eq3A_225 : vector<1x64xi32>
    %jit3A_227 = arith.constant 0.000000e+00 : f32
    %broadcast_in_dim3A_228 = vector.broadcast %jit3A_227 : f32 to vector<1x64xf32>
    %select_n3A_229 = arith.select %eq3A_226, %max3A_182, %broadcast_in_dim3A_228 : vector<1x64xi1>, vector<1x64xf32>
    %reduce_sum3A_230 = arith.constant dense<0.000000e+00> : vector<1xf32>
    %reduce_sum3A_231 = vector.multi_reduction <add>, %select_n3A_229, %reduce_sum3A_230 [1] : vector<1x64xf32> to vector<1xf32>
    %broadcast_in_dim3A_232 = vector.shape_cast %reduce_sum3A_231 : vector<1xf32> to vector<1x1xf32>
    %gt3A_233 = arith.constant 0.000000e+00 : f32
    %gt3A_234 = vector.broadcast %gt3A_233 : f32 to vector<64x1xf32>
    %gt3A_235 = arith.cmpf ogt, %convert_element_type3A_213, %gt3A_234 : vector<64x1xf32>
    %broadcast_in_dim3A_236 = vector.shape_cast %broadcast_in_dim3A_232 : vector<1x1xf32> to vector<1x1xf32>
    %broadcast_in_dim3A_237 = vector.broadcast %broadcast_in_dim3A_236 : vector<1x1xf32> to vector<64x1xf32>
    %select_n3A_238 = arith.select %gt3A_235, %broadcast_in_dim3A_237, %broadcast_in_dim3A_223 : vector<64x1xi1>, vector<64x1xf32>
    %eq3A_239 = arith.cmpi eq, %iota3A_190, %iota3A_191 : vector<64x64xi32>
    %convert_element_type3A_240 = arith.extui %eq3A_239 : vector<64x64xi1> to vector<64x64xi32>
    %convert_element_type3A_241 = arith.sitofp %convert_element_type3A_240 : vector<64x64xi32> to vector<64x64xf32>
    %mul3A_242 = vector.broadcast %select_n3A_238 : vector<64x1xf32> to vector<64x64xf32>
    %mul3A_243 = arith.mulf %mul3A_242, %convert_element_type3A_241 : vector<64x64xf32>
    %reduce_sum3A_244 = arith.constant dense<0.000000e+00> : vector<64xf32>
    %reduce_sum3A_245 = vector.multi_reduction <add>, %mul3A_243, %reduce_sum3A_244 [0] : vector<64x64xf32> to vector<64xf32>
    %broadcast_in_dim3A_246 = vector.shape_cast %reduce_sum3A_245 : vector<64xf32> to vector<1x64xf32>
    %mul3A_247 = vector.broadcast %convert_element_type3A_213 : vector<64x1xf32> to vector<64x64xf32>
    %mul3A_248 = arith.mulf %mul3A_247, %convert_element_type3A_241 : vector<64x64xf32>
    %reduce_sum3A_249 = arith.constant dense<0.000000e+00> : vector<64xf32>
    %reduce_sum3A_250 = vector.multi_reduction <add>, %mul3A_248, %reduce_sum3A_249 [0] : vector<64x64xf32> to vector<64xf32>
    %broadcast_in_dim3A_251 = vector.shape_cast %reduce_sum3A_250 : vector<64xf32> to vector<1x64xf32>
    %reduce_sum3A_252 = arith.constant dense<0.000000e+00> : vector<1xf32>
    %reduce_sum3A_253 = vector.multi_reduction <add>, %mul3A_101, %reduce_sum3A_252 [1] : vector<1x8xf32> to vector<1xf32>
    %broadcast_in_dim3A_254 = vector.shape_cast %reduce_sum3A_253 : vector<1xf32> to vector<1x1xf32>
    %mul3A_255 = arith.constant 128 : i32
    %mul3A_256 = vector.broadcast %mul3A_255 : i32 to vector<1x64xi32>
    %mul3A_257 = arith.muli %iota3A_183, %mul3A_256 : vector<1x64xi32>
    %convert_element_type3A_258 = arith.sitofp %mul3A_257 : vector<1x64xi32> to vector<1x64xf32>
    %lt3A_259 = vector.broadcast %broadcast_in_dim3A_254 : vector<1x1xf32> to vector<1x64xf32>
    %lt3A_260 = arith.cmpf olt, %convert_element_type3A_258, %lt3A_259 : vector<1x64xf32>
    %convert_element_type3A_261 = arith.extui %lt3A_260 : vector<1x64xi1> to vector<1x64xi32>
    %convert_element_type3A_262 = arith.sitofp %convert_element_type3A_261 : vector<1x64xi32> to vector<1x64xf32>
    %iota3A_263 = tpu.iota {dimensions = array<i32: 0>} : vector<8x64xi32>
    %eq3A_264 = arith.constant 0 : i32
    %eq3A_265 = vector.broadcast %eq3A_264 : i32 to vector<8x64xi32>
    %eq3A_266 = arith.cmpi eq, %iota3A_263, %eq3A_265 : vector<8x64xi32>
    %eq3A_267 = arith.constant 1 : i32
    %eq3A_268 = vector.broadcast %eq3A_267 : i32 to vector<8x64xi32>
    %eq3A_269 = arith.cmpi eq, %iota3A_263, %eq3A_268 : vector<8x64xi32>
    %eq3A_270 = arith.constant 2 : i32
    %eq3A_271 = vector.broadcast %eq3A_270 : i32 to vector<8x64xi32>
    %eq3A_272 = arith.cmpi eq, %iota3A_263, %eq3A_271 : vector<8x64xi32>
    %eq3A_273 = arith.constant 3 : i32
    %eq3A_274 = vector.broadcast %eq3A_273 : i32 to vector<8x64xi32>
    %eq3A_275 = arith.cmpi eq, %iota3A_263, %eq3A_274 : vector<8x64xi32>
    %eq3A_276 = arith.constant 4 : i32
    %eq3A_277 = vector.broadcast %eq3A_276 : i32 to vector<8x64xi32>
    %eq3A_278 = arith.cmpi eq, %iota3A_263, %eq3A_277 : vector<8x64xi32>
    %jit3A_279 = arith.constant 0.000000e+00 : f32
    %broadcast_in_dim3A_280 = vector.shape_cast %convert_element_type3A_262 : vector<1x64xf32> to vector<1x64xf32>
    %broadcast_in_dim3A_281 = vector.broadcast %broadcast_in_dim3A_280 : vector<1x64xf32> to vector<8x64xf32>
    %broadcast_in_dim3A_282 = vector.broadcast %jit3A_279 : f32 to vector<8x64xf32>
    %select_n3A_283 = arith.select %eq3A_278, %broadcast_in_dim3A_281, %broadcast_in_dim3A_282 : vector<8x64xi1>, vector<8x64xf32>
    %broadcast_in_dim3A_284 = vector.shape_cast %broadcast_in_dim3A_251 : vector<1x64xf32> to vector<1x64xf32>
    %broadcast_in_dim3A_285 = vector.broadcast %broadcast_in_dim3A_284 : vector<1x64xf32> to vector<8x64xf32>
    %select_n3A_286 = arith.select %eq3A_275, %broadcast_in_dim3A_285, %select_n3A_283 : vector<8x64xi1>, vector<8x64xf32>
    %broadcast_in_dim3A_287 = vector.shape_cast %broadcast_in_dim3A_246 : vector<1x64xf32> to vector<1x64xf32>
    %broadcast_in_dim3A_288 = vector.broadcast %broadcast_in_dim3A_287 : vector<1x64xf32> to vector<8x64xf32>
    %select_n3A_289 = arith.select %eq3A_272, %broadcast_in_dim3A_288, %select_n3A_286 : vector<8x64xi1>, vector<8x64xf32>
    %broadcast_in_dim3A_290 = vector.shape_cast %convert_element_type3A_189 : vector<1x64xf32> to vector<1x64xf32>
    %broadcast_in_dim3A_291 = vector.broadcast %broadcast_in_dim3A_290 : vector<1x64xf32> to vector<8x64xf32>
    %select_n3A_292 = arith.select %eq3A_269, %broadcast_in_dim3A_291, %select_n3A_289 : vector<8x64xi1>, vector<8x64xf32>
    %broadcast_in_dim3A_293 = vector.shape_cast %max3A_182 : vector<1x64xf32> to vector<1x64xf32>
    %broadcast_in_dim3A_294 = vector.broadcast %broadcast_in_dim3A_293 : vector<1x64xf32> to vector<8x64xf32>
    %select_n3A_295 = arith.select %eq3A_266, %broadcast_in_dim3A_294, %select_n3A_292 : vector<8x64xi1>, vector<8x64xf32>
    %convert_element_type3A_296 = arith.fptosi %select_n3A_295 : vector<8x64xf32> to vector<8x64xi32>
    %swap3A_297 = arith.constant 0 : index
    %swap3A_298 = arith.constant 0 : index
    %swap3A_299 = vector.load %arg5[%swap3A_297, %swap3A_298] : memref<8x64xi32, #tpu.memory_space<vmem>>, vector<8x64xi32>
    tpu.vector_store %arg5[%swap3A_297, %swap3A_298], %convert_element_type3A_296 {strides = array<i32>} : memref<8x64xi32, #tpu.memory_space<vmem>>, vector<8x64xi32>,
    return
  }
}

module attributes {stable_mosaic.version = 14 : i64} {
  func.func @_mlp_body(%arg0: i32, %arg1: i32, %arg2: memref<320xi32, #tpu.memory_space<smem>>, %arg3: memref<128x1024xf32, #tpu.memory_space<vmem>>, %arg4: memref<8x1024x2816xf32, #tpu.memory_space<hbm>>, %arg5: memref<8x1024x2816xf32, #tpu.memory_space<hbm>>, %arg6: memref<8x2816x1024xf32, #tpu.memory_space<hbm>>, %arg7: memref<128x128xf32, #tpu.memory_space<vmem>>, %arg8: memref<5120x1024xf32, #tpu.memory_space<hbm>>, %arg9: memref<5120x1024xbf16, #tpu.memory_space<vmem>>, %arg10: memref<5120x1024xbf16, #tpu.memory_space<vmem>>, %arg11: memref<2x1024x1408xf32, #tpu.memory_space<vmem>>, %arg12: memref<2x1024x1408xf32, #tpu.memory_space<vmem>>, %arg13: memref<2x1408x1024xf32, #tpu.memory_space<vmem>>, %arg14: memref<2x128x1024xf32, #tpu.memory_space<vmem>>, %arg15: memref<1xi32, #tpu.memory_space<smem>>, %arg16: memref<2x!tpu.dma_semaphore, #tpu.memory_space<semaphore_mem>>, %arg17: memref<2x!tpu.dma_semaphore, #tpu.memory_space<semaphore_mem>>, %arg18: memref<2x!tpu.dma_semaphore, #tpu.memory_space<semaphore_mem>>, %arg19: memref<2x!tpu.dma_semaphore, #tpu.memory_space<semaphore_mem>>) attributes {dimension_semantics = [#tpu.dimension_semantics<arbitrary>, #tpu.dimension_semantics<arbitrary>], iteration_bounds = array<i64: 2, 40>, scalar_prefetch = 1 : i64, scratch_operands = 11 : i64, tpu.core_type = #tpu.core_type<tc>, window_params = [{transform_indices = @transform_0, window_bounds = array<i64: 128, 1024>}, {}, {}, {}, {transform_indices = @transform_4, window_bounds = array<i64: 128, 128>}, {}]} {
    %add3A = arith.constant 64 : i32
    %add3A_0 = arith.addi %add3A, %arg1 : i32
    %get3A = arith.index_cast %add3A_0 : i32 to index
    %get3A_1 = memref.load %arg2[%get3A] : memref<320xi32, #tpu.memory_space<smem>>
    %eq3A = arith.constant 0 : i32
    %eq3A_2 = arith.cmpi eq, %arg0, %eq3A : i32
    %eq3A_3 = arith.constant 0 : i32
    %eq3A_4 = arith.cmpi eq, %arg1, %eq3A_3 : i32
    %and3A = arith.andi %eq3A_2, %eq3A_4 : i1
    %convert_element_type3A = arith.extui %and3A : i1 to i32
    %cond3A = arith.constant 0 : i32
    %cond3A_5 = arith.cmpi ne, %convert_element_type3A, %cond3A : i32
    scf.if %cond3A_5 {
      %swap3A = arith.constant 0 : i32
      %swap3A_34 = arith.constant 0 : index
      %swap3A_35 = memref.load %arg15[%swap3A_34] : memref<1xi32, #tpu.memory_space<smem>>
      memref.store %swap3A, %arg15[%swap3A_34] : memref<1xi32, #tpu.memory_space<smem>>
      %get3A_36 = arith.constant 0 : index
      %get3A_37 = memref.load %arg2[%get3A_36] : memref<320xi32, #tpu.memory_space<smem>>
      %dma_start3A = arith.constant 0 : i32
      %dma_start3A_38 = arith.constant 0 : i32
      %dma_start3A_39 = tpu.memref_slice %arg16[%dma_start3A_38] : memref<2x!tpu.dma_semaphore, #tpu.memory_space<semaphore_mem>> -> memref<1x!tpu.dma_semaphore, #tpu.memory_space<semaphore_mem>>
      %dma_start3A_40 = tpu.memref_squeeze %dma_start3A_39 : memref<1x!tpu.dma_semaphore, #tpu.memory_space<semaphore_mem>> -> memref<!tpu.dma_semaphore, #tpu.memory_space<semaphore_mem>>
      %dma_start3A_41 = arith.constant 0 : i32
      %dma_start3A_42 = arith.constant 0 : i32
      %dma_start3A_43 = tpu.memref_slice %arg11[%dma_start3A, %dma_start3A_41, %dma_start3A_42] : memref<2x1024x1408xf32, #tpu.memory_space<vmem>> -> memref<1x1024x1408xf32, #tpu.memory_space<vmem>>
      %dma_start3A_44 = tpu.memref_squeeze %dma_start3A_43 : memref<1x1024x1408xf32, #tpu.memory_space<vmem>> -> memref<1024x1408xf32, #tpu.memory_space<vmem>>
      %dma_start3A_45 = arith.constant 0 : i32
      %dma_start3A_46 = arith.constant 0 : i32
      %dma_start3A_47 = tpu.memref_slice %arg4[%get3A_37, %dma_start3A_45, %dma_start3A_46] : memref<8x1024x2816xf32, #tpu.memory_space<hbm>> -> memref<1x1024x1408xf32, #tpu.memory_space<hbm>>
      %dma_start3A_48 = tpu.memref_squeeze %dma_start3A_47 : memref<1x1024x1408xf32, #tpu.memory_space<hbm>> -> memref<1024x1408xf32, #tpu.memory_space<hbm>>
      tpu.enqueue_dma source(%dma_start3A_48 : memref<1024x1408xf32, #tpu.memory_space<hbm>>) target(%dma_start3A_44 : memref<1024x1408xf32, #tpu.memory_space<vmem>>) target_semaphore(%dma_start3A_40 : memref<!tpu.dma_semaphore, #tpu.memory_space<semaphore_mem>>)
      %dma_start3A_49 = arith.constant 0 : i32
      %dma_start3A_50 = arith.constant 0 : i32
      %dma_start3A_51 = tpu.memref_slice %arg17[%dma_start3A_50] : memref<2x!tpu.dma_semaphore, #tpu.memory_space<semaphore_mem>> -> memref<1x!tpu.dma_semaphore, #tpu.memory_space<semaphore_mem>>
      %dma_start3A_52 = tpu.memref_squeeze %dma_start3A_51 : memref<1x!tpu.dma_semaphore, #tpu.memory_space<semaphore_mem>> -> memref<!tpu.dma_semaphore, #tpu.memory_space<semaphore_mem>>
      %dma_start3A_53 = arith.constant 0 : i32
      %dma_start3A_54 = arith.constant 0 : i32
      %dma_start3A_55 = tpu.memref_slice %arg12[%dma_start3A_49, %dma_start3A_53, %dma_start3A_54] : memref<2x1024x1408xf32, #tpu.memory_space<vmem>> -> memref<1x1024x1408xf32, #tpu.memory_space<vmem>>
      %dma_start3A_56 = tpu.memref_squeeze %dma_start3A_55 : memref<1x1024x1408xf32, #tpu.memory_space<vmem>> -> memref<1024x1408xf32, #tpu.memory_space<vmem>>
      %dma_start3A_57 = arith.constant 0 : i32
      %dma_start3A_58 = arith.constant 0 : i32
      %dma_start3A_59 = tpu.memref_slice %arg5[%get3A_37, %dma_start3A_57, %dma_start3A_58] : memref<8x1024x2816xf32, #tpu.memory_space<hbm>> -> memref<1x1024x1408xf32, #tpu.memory_space<hbm>>
      %dma_start3A_60 = tpu.memref_squeeze %dma_start3A_59 : memref<1x1024x1408xf32, #tpu.memory_space<hbm>> -> memref<1024x1408xf32, #tpu.memory_space<hbm>>
      tpu.enqueue_dma source(%dma_start3A_60 : memref<1024x1408xf32, #tpu.memory_space<hbm>>) target(%dma_start3A_56 : memref<1024x1408xf32, #tpu.memory_space<vmem>>) target_semaphore(%dma_start3A_52 : memref<!tpu.dma_semaphore, #tpu.memory_space<semaphore_mem>>)
      %dma_start3A_61 = arith.constant 0 : i32
      %dma_start3A_62 = arith.constant 0 : i32
      %dma_start3A_63 = tpu.memref_slice %arg18[%dma_start3A_62] : memref<2x!tpu.dma_semaphore, #tpu.memory_space<semaphore_mem>> -> memref<1x!tpu.dma_semaphore, #tpu.memory_space<semaphore_mem>>
      %dma_start3A_64 = tpu.memref_squeeze %dma_start3A_63 : memref<1x!tpu.dma_semaphore, #tpu.memory_space<semaphore_mem>> -> memref<!tpu.dma_semaphore, #tpu.memory_space<semaphore_mem>>
      %dma_start3A_65 = arith.constant 0 : i32
      %dma_start3A_66 = arith.constant 0 : i32
      %dma_start3A_67 = tpu.memref_slice %arg13[%dma_start3A_61, %dma_start3A_65, %dma_start3A_66] : memref<2x1408x1024xf32, #tpu.memory_space<vmem>> -> memref<1x1408x1024xf32, #tpu.memory_space<vmem>>
      %dma_start3A_68 = tpu.memref_squeeze %dma_start3A_67 : memref<1x1408x1024xf32, #tpu.memory_space<vmem>> -> memref<1408x1024xf32, #tpu.memory_space<vmem>>
      %dma_start3A_69 = arith.constant 0 : i32
      %dma_start3A_70 = arith.constant 0 : i32
      %dma_start3A_71 = tpu.memref_slice %arg6[%get3A_37, %dma_start3A_69, %dma_start3A_70] : memref<8x2816x1024xf32, #tpu.memory_space<hbm>> -> memref<1x1408x1024xf32, #tpu.memory_space<hbm>>
      %dma_start3A_72 = tpu.memref_squeeze %dma_start3A_71 : memref<1x1408x1024xf32, #tpu.memory_space<hbm>> -> memref<1408x1024xf32, #tpu.memory_space<hbm>>
      tpu.enqueue_dma source(%dma_start3A_72 : memref<1408x1024xf32, #tpu.memory_space<hbm>>) target(%dma_start3A_68 : memref<1408x1024xf32, #tpu.memory_space<vmem>>) target_semaphore(%dma_start3A_64 : memref<!tpu.dma_semaphore, #tpu.memory_space<semaphore_mem>>)
    } else {
    }
    %eq3A_6 = arith.constant 1 : i32
    %eq3A_7 = arith.cmpi eq, %get3A_1, %eq3A_6 : i32
    %convert_element_type3A_8 = arith.extui %eq3A_7 : i1 to i32
    %cond3A_9 = arith.constant 0 : i32
    %cond3A_10 = arith.cmpi ne, %convert_element_type3A_8, %cond3A_9 : i32
    scf.if %cond3A_10 {
      %get3A_34 = arith.constant 0 : index
      %get3A_35 = memref.load %arg15[%get3A_34] : memref<1xi32, #tpu.memory_space<smem>>
      %rem3A_36 = arith.constant 2 : i32
      %rem3A_37 = arith.remsi %get3A_35, %rem3A_36 : i32
      %get3A_38 = arith.index_cast %arg1 : i32 to index
      %get3A_39 = memref.load %arg2[%get3A_38] : memref<320xi32, #tpu.memory_space<smem>>
      %mul3A_40 = arith.constant 1408 : i32
      %mul3A_41 = arith.muli %arg0, %mul3A_40 : i32
      %mul3A_42 = arith.constant 1408 : i32
      %mul3A_43 = arith.muli %arg0, %mul3A_42 : i32
      %mul3A_44 = arith.constant 1408 : i32
      %mul3A_45 = arith.muli %arg0, %mul3A_44 : i32
      %dma_wait3A = tpu.memref_slice %arg16[%rem3A_37] : memref<2x!tpu.dma_semaphore, #tpu.memory_space<semaphore_mem>> -> memref<1x!tpu.dma_semaphore, #tpu.memory_space<semaphore_mem>>
      %dma_wait3A_46 = tpu.memref_squeeze %dma_wait3A : memref<1x!tpu.dma_semaphore, #tpu.memory_space<semaphore_mem>> -> memref<!tpu.dma_semaphore, #tpu.memory_space<semaphore_mem>>
      %dma_wait3A_47 = arith.constant 0 : i32
      %dma_wait3A_48 = arith.constant 0 : i32
      %dma_wait3A_49 = tpu.memref_slice %arg11[%rem3A_37, %dma_wait3A_47, %dma_wait3A_48] : memref<2x1024x1408xf32, #tpu.memory_space<vmem>> -> memref<1x1024x1408xf32, #tpu.memory_space<vmem>>
      %dma_wait3A_50 = tpu.memref_squeeze %dma_wait3A_49 : memref<1x1024x1408xf32, #tpu.memory_space<vmem>> -> memref<1024x1408xf32, #tpu.memory_space<vmem>>
      %dma_wait3A_51 = arith.constant 0 : i32
      %dma_wait3A_52 = tpu.memref_slice %arg4[%get3A_39, %dma_wait3A_51, %mul3A_41] : memref<8x1024x2816xf32, #tpu.memory_space<hbm>> -> memref<1x1024x1408xf32, #tpu.memory_space<hbm>>
      %dma_wait3A_53 = tpu.memref_squeeze %dma_wait3A_52 : memref<1x1024x1408xf32, #tpu.memory_space<hbm>> -> memref<1024x1408xf32, #tpu.memory_space<hbm>>
      tpu.wait_dma2 semaphore(%dma_wait3A_46 : memref<!tpu.dma_semaphore, #tpu.memory_space<semaphore_mem>>) src(%dma_wait3A_53 : memref<1024x1408xf32, #tpu.memory_space<hbm>>) dst(%dma_wait3A_50 : memref<1024x1408xf32, #tpu.memory_space<vmem>>)
      %dma_wait3A_54 = tpu.memref_slice %arg17[%rem3A_37] : memref<2x!tpu.dma_semaphore, #tpu.memory_space<semaphore_mem>> -> memref<1x!tpu.dma_semaphore, #tpu.memory_space<semaphore_mem>>
      %dma_wait3A_55 = tpu.memref_squeeze %dma_wait3A_54 : memref<1x!tpu.dma_semaphore, #tpu.memory_space<semaphore_mem>> -> memref<!tpu.dma_semaphore, #tpu.memory_space<semaphore_mem>>
      %dma_wait3A_56 = arith.constant 0 : i32
      %dma_wait3A_57 = arith.constant 0 : i32
      %dma_wait3A_58 = tpu.memref_slice %arg12[%rem3A_37, %dma_wait3A_56, %dma_wait3A_57] : memref<2x1024x1408xf32, #tpu.memory_space<vmem>> -> memref<1x1024x1408xf32, #tpu.memory_space<vmem>>
      %dma_wait3A_59 = tpu.memref_squeeze %dma_wait3A_58 : memref<1x1024x1408xf32, #tpu.memory_space<vmem>> -> memref<1024x1408xf32, #tpu.memory_space<vmem>>
      %dma_wait3A_60 = arith.constant 0 : i32
      %dma_wait3A_61 = tpu.memref_slice %arg5[%get3A_39, %dma_wait3A_60, %mul3A_43] : memref<8x1024x2816xf32, #tpu.memory_space<hbm>> -> memref<1x1024x1408xf32, #tpu.memory_space<hbm>>
      %dma_wait3A_62 = tpu.memref_squeeze %dma_wait3A_61 : memref<1x1024x1408xf32, #tpu.memory_space<hbm>> -> memref<1024x1408xf32, #tpu.memory_space<hbm>>
      tpu.wait_dma2 semaphore(%dma_wait3A_55 : memref<!tpu.dma_semaphore, #tpu.memory_space<semaphore_mem>>) src(%dma_wait3A_62 : memref<1024x1408xf32, #tpu.memory_space<hbm>>) dst(%dma_wait3A_59 : memref<1024x1408xf32, #tpu.memory_space<vmem>>)
      %dma_wait3A_63 = tpu.memref_slice %arg18[%rem3A_37] : memref<2x!tpu.dma_semaphore, #tpu.memory_space<semaphore_mem>> -> memref<1x!tpu.dma_semaphore, #tpu.memory_space<semaphore_mem>>
      %dma_wait3A_64 = tpu.memref_squeeze %dma_wait3A_63 : memref<1x!tpu.dma_semaphore, #tpu.memory_space<semaphore_mem>> -> memref<!tpu.dma_semaphore, #tpu.memory_space<semaphore_mem>>
      %dma_wait3A_65 = arith.constant 0 : i32
      %dma_wait3A_66 = arith.constant 0 : i32
      %dma_wait3A_67 = tpu.memref_slice %arg13[%rem3A_37, %dma_wait3A_65, %dma_wait3A_66] : memref<2x1408x1024xf32, #tpu.memory_space<vmem>> -> memref<1x1408x1024xf32, #tpu.memory_space<vmem>>
      %dma_wait3A_68 = tpu.memref_squeeze %dma_wait3A_67 : memref<1x1408x1024xf32, #tpu.memory_space<vmem>> -> memref<1408x1024xf32, #tpu.memory_space<vmem>>
      %dma_wait3A_69 = arith.constant 0 : i32
      %dma_wait3A_70 = tpu.memref_slice %arg6[%get3A_39, %mul3A_45, %dma_wait3A_69] : memref<8x2816x1024xf32, #tpu.memory_space<hbm>> -> memref<1x1408x1024xf32, #tpu.memory_space<hbm>>
      %dma_wait3A_71 = tpu.memref_squeeze %dma_wait3A_70 : memref<1x1408x1024xf32, #tpu.memory_space<hbm>> -> memref<1408x1024xf32, #tpu.memory_space<hbm>>
      tpu.wait_dma2 semaphore(%dma_wait3A_64 : memref<!tpu.dma_semaphore, #tpu.memory_space<semaphore_mem>>) src(%dma_wait3A_71 : memref<1408x1024xf32, #tpu.memory_space<hbm>>) dst(%dma_wait3A_68 : memref<1408x1024xf32, #tpu.memory_space<vmem>>)
      %add3A_72 = arith.constant 128 : i32
      %add3A_73 = arith.addi %add3A_72, %arg1 : i32
      %get3A_74 = arith.index_cast %add3A_73 : i32 to index
      %get3A_75 = memref.load %arg2[%get3A_74] : memref<320xi32, #tpu.memory_space<smem>>
      %add3A_76 = arith.constant 192 : i32
      %add3A_77 = arith.addi %add3A_76, %arg1 : i32
      %get3A_78 = arith.index_cast %add3A_77 : i32 to index
      %get3A_79 = memref.load %arg2[%get3A_78] : memref<320xi32, #tpu.memory_space<smem>>
      %add3A_80 = arith.addi %arg0, %get3A_79 : i32
      %mul3A_81 = arith.constant 2 : i32
      %mul3A_82 = arith.muli %mul3A_81, %arg0 : i32
      %mul3A_83 = arith.muli %mul3A_82, %get3A_79 : i32
      %sub3A = arith.subi %add3A_80, %mul3A_83 : i32
      %eq3A_84 = arith.constant 1 : i32
      %eq3A_85 = arith.cmpi eq, %arg0, %eq3A_84 : i32
      %eq3A_86 = arith.constant 1 : i32
      %eq3A_87 = arith.cmpi eq, %get3A_79, %eq3A_86 : i32
      %and3A_88 = arith.andi %eq3A_85, %eq3A_87 : i1
      %not3A = arith.constant true
      %not3A_89 = arith.xori %and3A_88, %not3A : i1
      %convert_element_type3A_90 = arith.extui %not3A_89 : i1 to i32
      %cond3A_91 = arith.constant 0 : i32
      %cond3A_92 = arith.cmpi ne, %convert_element_type3A_90, %cond3A_91 : i32
      scf.if %cond3A_92 {
        %add3A_96 = arith.constant 1 : i32
        %add3A_97 = arith.addi %get3A_35, %add3A_96 : i32
        %rem3A_98 = arith.constant 2 : i32
        %rem3A_99 = arith.remsi %add3A_97, %rem3A_98 : i32
        %mul3A_100 = arith.constant 1408 : i32
        %mul3A_101 = arith.muli %sub3A, %mul3A_100 : i32
        %mul3A_102 = arith.constant 1408 : i32
        %mul3A_103 = arith.muli %sub3A, %mul3A_102 : i32
        %mul3A_104 = arith.constant 1408 : i32
        %mul3A_105 = arith.muli %sub3A, %mul3A_104 : i32
        %dma_start3A = tpu.memref_slice %arg16[%rem3A_99] : memref<2x!tpu.dma_semaphore, #tpu.memory_space<semaphore_mem>> -> memref<1x!tpu.dma_semaphore, #tpu.memory_space<semaphore_mem>>
        %dma_start3A_106 = tpu.memref_squeeze %dma_start3A : memref<1x!tpu.dma_semaphore, #tpu.memory_space<semaphore_mem>> -> memref<!tpu.dma_semaphore, #tpu.memory_space<semaphore_mem>>
        %dma_start3A_107 = arith.constant 0 : i32
        %dma_start3A_108 = arith.constant 0 : i32
        %dma_start3A_109 = tpu.memref_slice %arg11[%rem3A_99, %dma_start3A_107, %dma_start3A_108] : memref<2x1024x1408xf32, #tpu.memory_space<vmem>> -> memref<1x1024x1408xf32, #tpu.memory_space<vmem>>
        %dma_start3A_110 = tpu.memref_squeeze %dma_start3A_109 : memref<1x1024x1408xf32, #tpu.memory_space<vmem>> -> memref<1024x1408xf32, #tpu.memory_space<vmem>>
        %dma_start3A_111 = arith.constant 0 : i32
        %dma_start3A_112 = tpu.memref_slice %arg4[%get3A_75, %dma_start3A_111, %mul3A_101] : memref<8x1024x2816xf32, #tpu.memory_space<hbm>> -> memref<1x1024x1408xf32, #tpu.memory_space<hbm>>
        %dma_start3A_113 = tpu.memref_squeeze %dma_start3A_112 : memref<1x1024x1408xf32, #tpu.memory_space<hbm>> -> memref<1024x1408xf32, #tpu.memory_space<hbm>>
        tpu.enqueue_dma source(%dma_start3A_113 : memref<1024x1408xf32, #tpu.memory_space<hbm>>) target(%dma_start3A_110 : memref<1024x1408xf32, #tpu.memory_space<vmem>>) target_semaphore(%dma_start3A_106 : memref<!tpu.dma_semaphore, #tpu.memory_space<semaphore_mem>>)
        %dma_start3A_114 = tpu.memref_slice %arg17[%rem3A_99] : memref<2x!tpu.dma_semaphore, #tpu.memory_space<semaphore_mem>> -> memref<1x!tpu.dma_semaphore, #tpu.memory_space<semaphore_mem>>
        %dma_start3A_115 = tpu.memref_squeeze %dma_start3A_114 : memref<1x!tpu.dma_semaphore, #tpu.memory_space<semaphore_mem>> -> memref<!tpu.dma_semaphore, #tpu.memory_space<semaphore_mem>>
        %dma_start3A_116 = arith.constant 0 : i32
        %dma_start3A_117 = arith.constant 0 : i32
        %dma_start3A_118 = tpu.memref_slice %arg12[%rem3A_99, %dma_start3A_116, %dma_start3A_117] : memref<2x1024x1408xf32, #tpu.memory_space<vmem>> -> memref<1x1024x1408xf32, #tpu.memory_space<vmem>>
        %dma_start3A_119 = tpu.memref_squeeze %dma_start3A_118 : memref<1x1024x1408xf32, #tpu.memory_space<vmem>> -> memref<1024x1408xf32, #tpu.memory_space<vmem>>
        %dma_start3A_120 = arith.constant 0 : i32
        %dma_start3A_121 = tpu.memref_slice %arg5[%get3A_75, %dma_start3A_120, %mul3A_103] : memref<8x1024x2816xf32, #tpu.memory_space<hbm>> -> memref<1x1024x1408xf32, #tpu.memory_space<hbm>>
        %dma_start3A_122 = tpu.memref_squeeze %dma_start3A_121 : memref<1x1024x1408xf32, #tpu.memory_space<hbm>> -> memref<1024x1408xf32, #tpu.memory_space<hbm>>
        tpu.enqueue_dma source(%dma_start3A_122 : memref<1024x1408xf32, #tpu.memory_space<hbm>>) target(%dma_start3A_119 : memref<1024x1408xf32, #tpu.memory_space<vmem>>) target_semaphore(%dma_start3A_115 : memref<!tpu.dma_semaphore, #tpu.memory_space<semaphore_mem>>)
        %dma_start3A_123 = tpu.memref_slice %arg18[%rem3A_99] : memref<2x!tpu.dma_semaphore, #tpu.memory_space<semaphore_mem>> -> memref<1x!tpu.dma_semaphore, #tpu.memory_space<semaphore_mem>>
        %dma_start3A_124 = tpu.memref_squeeze %dma_start3A_123 : memref<1x!tpu.dma_semaphore, #tpu.memory_space<semaphore_mem>> -> memref<!tpu.dma_semaphore, #tpu.memory_space<semaphore_mem>>
        %dma_start3A_125 = arith.constant 0 : i32
        %dma_start3A_126 = arith.constant 0 : i32
        %dma_start3A_127 = tpu.memref_slice %arg13[%rem3A_99, %dma_start3A_125, %dma_start3A_126] : memref<2x1408x1024xf32, #tpu.memory_space<vmem>> -> memref<1x1408x1024xf32, #tpu.memory_space<vmem>>
        %dma_start3A_128 = tpu.memref_squeeze %dma_start3A_127 : memref<1x1408x1024xf32, #tpu.memory_space<vmem>> -> memref<1408x1024xf32, #tpu.memory_space<vmem>>
        %dma_start3A_129 = arith.constant 0 : i32
        %dma_start3A_130 = tpu.memref_slice %arg6[%get3A_75, %mul3A_105, %dma_start3A_129] : memref<8x2816x1024xf32, #tpu.memory_space<hbm>> -> memref<1x1408x1024xf32, #tpu.memory_space<hbm>>
        %dma_start3A_131 = tpu.memref_squeeze %dma_start3A_130 : memref<1x1408x1024xf32, #tpu.memory_space<hbm>> -> memref<1408x1024xf32, #tpu.memory_space<hbm>>
        tpu.enqueue_dma source(%dma_start3A_131 : memref<1408x1024xf32, #tpu.memory_space<hbm>>) target(%dma_start3A_128 : memref<1408x1024xf32, #tpu.memory_space<vmem>>) target_semaphore(%dma_start3A_124 : memref<!tpu.dma_semaphore, #tpu.memory_space<semaphore_mem>>)
      } else {
      }
      %add3A_93 = arith.constant 1 : i32
      %add3A_94 = arith.addi %get3A_35, %add3A_93 : i32
      %swap3A = arith.constant 0 : index
      %swap3A_95 = memref.load %arg15[%swap3A] : memref<1xi32, #tpu.memory_space<smem>>
      memref.store %add3A_94, %arg15[%swap3A] : memref<1xi32, #tpu.memory_space<smem>>
    } else {
    }
    %get3A_11 = arith.constant 0 : index
    %get3A_12 = memref.load %arg15[%get3A_11] : memref<1xi32, #tpu.memory_space<smem>>
    %add3A_13 = arith.constant 1 : i32
    %add3A_14 = arith.addi %get3A_12, %add3A_13 : i32
    %rem3A = arith.constant 2 : i32
    %rem3A_15 = arith.remsi %add3A_14, %rem3A : i32
    %mul3A = arith.constant 128 : i32
    %mul3A_16 = arith.muli %arg1, %mul3A : i32
    %add3A_17 = arith.constant 256 : i32
    %add3A_18 = arith.addi %add3A_17, %arg1 : i32
    %get3A_19 = arith.index_cast %add3A_18 : i32 to index
    %get3A_20 = memref.load %arg2[%get3A_19] : memref<320xi32, #tpu.memory_space<smem>>
    %eq3A_21 = arith.constant 0 : i32
    %eq3A_22 = arith.cmpi eq, %arg0, %eq3A_21 : i32
    %eq3A_23 = arith.constant 1 : i32
    %eq3A_24 = arith.cmpi eq, %get3A_20, %eq3A_23 : i32
    %and3A_25 = arith.andi %eq3A_22, %eq3A_24 : i1
    %convert_element_type3A_26 = arith.extui %and3A_25 : i1 to i32
    %cond3A_27 = arith.constant 0 : i32
    %cond3A_28 = arith.cmpi ne, %convert_element_type3A_26, %cond3A_27 : i32
    scf.if %cond3A_28 {
      %get3A_34 = arith.constant 0 : index
      %get3A_35 = arith.constant 0 : index
      %get3A_36 = vector.load %arg3[%get3A_34, %get3A_35] : memref<128x1024xf32, #tpu.memory_space<vmem>>, vector<128x1024xf32>
      %convert_element_type3A_37 = arith.truncf %get3A_36 : vector<128x1024xf32> to vector<128x1024xbf16>
      %swap3A = arith.index_cast %mul3A_16 : i32 to index
      %swap3A_38 = arith.constant 0 : index
      %swap3A_39 = vector.load %arg10[%swap3A, %swap3A_38] : memref<5120x1024xbf16, #tpu.memory_space<vmem>>, vector<128x1024xbf16>
      tpu.vector_store %arg10[%swap3A, %swap3A_38], %convert_element_type3A_37 {strides = array<i32>} : memref<5120x1024xbf16, #tpu.memory_space<vmem>>, vector<128x1024xbf16>,
      %get3A_40 = arith.index_cast %mul3A_16 : i32 to index
      %get3A_41 = arith.constant 0 : index
      %get3A_42 = vector.load %arg10[%get3A_40, %get3A_41] : memref<5120x1024xbf16, #tpu.memory_space<vmem>>, vector<128x1024xbf16>
      %get3A_43 = arith.index_cast %rem3A_15 : i32 to index
      %get3A_44 = arith.constant 0 : index
      %get3A_45 = arith.constant 0 : index
      %get3A_46 = vector.load %arg11[%get3A_43, %get3A_44, %get3A_45] : memref<2x1024x1408xf32, #tpu.memory_space<vmem>>, vector<1x1024x1408xf32>
      %get3A_47 = vector.shape_cast %get3A_46 : vector<1x1024x1408xf32> to vector<1024x1408xf32>
      %convert_element_type3A_48 = arith.truncf %get3A_47 : vector<1024x1408xf32> to vector<1024x1408xbf16>
      %dot_general3A = arith.constant dense<0.000000e+00> : vector<128x1408xf32>
      %dot_general3A_49 = tpu.matmul %get3A_42, %convert_element_type3A_48, %dot_general3A {dimension_numbers = #tpu.dot_dimension_numbers<[1], [0], [0], [1], [0, 0, 1, 1], [], []>, transpose_lhs_hint = false} : vector<128x1024xbf16>, vector<1024x1408xbf16>, vector<128x1408xf32> -> vector<128x1408xf32>
      %get3A_50 = arith.index_cast %rem3A_15 : i32 to index
      %get3A_51 = arith.constant 0 : index
      %get3A_52 = arith.constant 0 : index
      %get3A_53 = vector.load %arg12[%get3A_50, %get3A_51, %get3A_52] : memref<2x1024x1408xf32, #tpu.memory_space<vmem>>, vector<1x1024x1408xf32>
      %get3A_54 = vector.shape_cast %get3A_53 : vector<1x1024x1408xf32> to vector<1024x1408xf32>
      %convert_element_type3A_55 = arith.truncf %get3A_54 : vector<1024x1408xf32> to vector<1024x1408xbf16>
      %dot_general3A_56 = arith.constant dense<0.000000e+00> : vector<128x1408xf32>
      %dot_general3A_57 = tpu.matmul %get3A_42, %convert_element_type3A_55, %dot_general3A_56 {dimension_numbers = #tpu.dot_dimension_numbers<[1], [0], [0], [1], [0, 0, 1, 1], [], []>, transpose_lhs_hint = false} : vector<128x1024xbf16>, vector<1024x1408xbf16>, vector<128x1408xf32> -> vector<128x1408xf32>
      %neg3A = arith.constant 0.000000e+00 : f32
      %neg3A_58 = vector.broadcast %neg3A : f32 to vector<128x1408xf32>
      %neg3A_59 = arith.subf %neg3A_58, %dot_general3A_49 : vector<128x1408xf32>
      %exp3A = math.exp %neg3A_59 : vector<128x1408xf32>
      %add3A_60 = arith.constant 1.000000e+00 : f32
      %add3A_61 = vector.broadcast %add3A_60 : f32 to vector<128x1408xf32>
      %add3A_62 = arith.addf %add3A_61, %exp3A : vector<128x1408xf32>
      %div3A = arith.constant 1.000000e+00 : f32
      %div3A_63 = vector.broadcast %div3A : f32 to vector<128x1408xf32>
      %div3A_64 = arith.divf %div3A_63, %add3A_62 : vector<128x1408xf32>
      %mul3A_65 = arith.mulf %dot_general3A_49, %div3A_64 : vector<128x1408xf32>
      %mul3A_66 = arith.mulf %mul3A_65, %dot_general3A_57 : vector<128x1408xf32>
      %convert_element_type3A_67 = arith.truncf %mul3A_66 : vector<128x1408xf32> to vector<128x1408xbf16>
      %get3A_68 = arith.index_cast %rem3A_15 : i32 to index
      %get3A_69 = arith.constant 0 : index
      %get3A_70 = arith.constant 0 : index
      %get3A_71 = vector.load %arg13[%get3A_68, %get3A_69, %get3A_70] : memref<2x1408x1024xf32, #tpu.memory_space<vmem>>, vector<1x1408x1024xf32>
      %get3A_72 = vector.shape_cast %get3A_71 : vector<1x1408x1024xf32> to vector<1408x1024xf32>
      %convert_element_type3A_73 = arith.truncf %get3A_72 : vector<1408x1024xf32> to vector<1408x1024xbf16>
      %dot_general3A_74 = arith.constant dense<0.000000e+00> : vector<128x1024xf32>
      %dot_general3A_75 = tpu.matmul %convert_element_type3A_67, %convert_element_type3A_73, %dot_general3A_74 {dimension_numbers = #tpu.dot_dimension_numbers<[1], [0], [0], [1], [0, 0, 1, 1], [], []>, transpose_lhs_hint = false} : vector<128x1408xbf16>, vector<1408x1024xbf16>, vector<128x1024xf32> -> vector<128x1024xf32>
      %get3A_76 = arith.constant 0 : index
      %get3A_77 = arith.constant 0 : index
      %get3A_78 = vector.load %arg7[%get3A_76, %get3A_77] : memref<128x128xf32, #tpu.memory_space<vmem>>, vector<128x1xf32>
      %mul3A_79 = vector.broadcast %get3A_78 : vector<128x1xf32> to vector<128x1024xf32>
      %mul3A_80 = arith.mulf %dot_general3A_75, %mul3A_79 : vector<128x1024xf32>
      %convert_element_type3A_81 = arith.truncf %mul3A_80 : vector<128x1024xf32> to vector<128x1024xbf16>
      %swap3A_82 = arith.index_cast %mul3A_16 : i32 to index
      %swap3A_83 = arith.constant 0 : index
      %swap3A_84 = vector.load %arg9[%swap3A_82, %swap3A_83] : memref<5120x1024xbf16, #tpu.memory_space<vmem>>, vector<128x1024xbf16>
      tpu.vector_store %arg9[%swap3A_82, %swap3A_83], %convert_element_type3A_81 {strides = array<i32>} : memref<5120x1024xbf16, #tpu.memory_space<vmem>>, vector<128x1024xbf16>,
    } else {
    }
    %eq3A_29 = arith.constant 1 : i32
    %eq3A_30 = arith.cmpi eq, %arg0, %eq3A_29 : i32
    %convert_element_type3A_31 = arith.extui %eq3A_30 : i1 to i32
    %cond3A_32 = arith.constant 0 : i32
    %cond3A_33 = arith.cmpi ne, %convert_element_type3A_31, %cond3A_32 : i32
    scf.if %cond3A_33 {
      %rem3A_34 = arith.constant 2 : i32
      %rem3A_35 = arith.remsi %arg1, %rem3A_34 : i32
      %ge3A = arith.constant 2 : i32
      %ge3A_36 = arith.cmpi sge, %arg1, %ge3A : i32
      %convert_element_type3A_37 = arith.extui %ge3A_36 : i1 to i32
      %cond3A_38 = arith.constant 0 : i32
      %cond3A_39 = arith.cmpi ne, %convert_element_type3A_37, %cond3A_38 : i32
      scf.if %cond3A_39 {
        %sub3A = arith.constant 2 : i32
        %sub3A_59 = arith.subi %arg1, %sub3A : i32
        %mul3A_60 = arith.constant 128 : i32
        %mul3A_61 = arith.muli %sub3A_59, %mul3A_60 : i32
        %dma_wait3A = tpu.memref_slice %arg19[%rem3A_35] : memref<2x!tpu.dma_semaphore, #tpu.memory_space<semaphore_mem>> -> memref<1x!tpu.dma_semaphore, #tpu.memory_space<semaphore_mem>>
        %dma_wait3A_62 = tpu.memref_squeeze %dma_wait3A : memref<1x!tpu.dma_semaphore, #tpu.memory_space<semaphore_mem>> -> memref<!tpu.dma_semaphore, #tpu.memory_space<semaphore_mem>>
        %dma_wait3A_63 = arith.constant 0 : i32
        %dma_wait3A_64 = tpu.memref_slice %arg8[%mul3A_61, %dma_wait3A_63] : memref<5120x1024xf32, #tpu.memory_space<hbm>> -> memref<128x1024xf32, #tpu.memory_space<hbm>>
        %dma_wait3A_65 = arith.constant 0 : i32
        %dma_wait3A_66 = arith.constant 0 : i32
        %dma_wait3A_67 = tpu.memref_slice %arg14[%rem3A_35, %dma_wait3A_65, %dma_wait3A_66] : memref<2x128x1024xf32, #tpu.memory_space<vmem>> -> memref<1x128x1024xf32, #tpu.memory_space<vmem>>
        %dma_wait3A_68 = tpu.memref_squeeze %dma_wait3A_67 : memref<1x128x1024xf32, #tpu.memory_space<vmem>> -> memref<128x1024xf32, #tpu.memory_space<vmem>>
        tpu.wait_dma2 semaphore(%dma_wait3A_62 : memref<!tpu.dma_semaphore, #tpu.memory_space<semaphore_mem>>) src(%dma_wait3A_68 : memref<128x1024xf32, #tpu.memory_space<vmem>>) dst(%dma_wait3A_64 : memref<128x1024xf32, #tpu.memory_space<hbm>>)
      } else {
      }
      %eq3A_40 = arith.constant 1 : i32
      %eq3A_41 = arith.cmpi eq, %get3A_20, %eq3A_40 : i32
      %convert_element_type3A_42 = arith.extui %eq3A_41 : i1 to i32
      %cond3A_43 = arith.constant 0 : i32
      %cond3A_44 = arith.cmpi ne, %convert_element_type3A_42, %cond3A_43 : i32
      scf.if %cond3A_44 {
        %get3A_59 = arith.index_cast %mul3A_16 : i32 to index
        %get3A_60 = arith.constant 0 : index
        %get3A_61 = vector.load %arg10[%get3A_59, %get3A_60] : memref<5120x1024xbf16, #tpu.memory_space<vmem>>, vector<128x1024xbf16>
        %get3A_62 = arith.index_cast %rem3A_15 : i32 to index
        %get3A_63 = arith.constant 0 : index
        %get3A_64 = arith.constant 0 : index
        %get3A_65 = vector.load %arg11[%get3A_62, %get3A_63, %get3A_64] : memref<2x1024x1408xf32, #tpu.memory_space<vmem>>, vector<1x1024x1408xf32>
        %get3A_66 = vector.shape_cast %get3A_65 : vector<1x1024x1408xf32> to vector<1024x1408xf32>
        %convert_element_type3A_67 = arith.truncf %get3A_66 : vector<1024x1408xf32> to vector<1024x1408xbf16>
        %dot_general3A = arith.constant dense<0.000000e+00> : vector<128x1408xf32>
        %dot_general3A_68 = tpu.matmul %get3A_61, %convert_element_type3A_67, %dot_general3A {dimension_numbers = #tpu.dot_dimension_numbers<[1], [0], [0], [1], [0, 0, 1, 1], [], []>, transpose_lhs_hint = false} : vector<128x1024xbf16>, vector<1024x1408xbf16>, vector<128x1408xf32> -> vector<128x1408xf32>
        %get3A_69 = arith.index_cast %rem3A_15 : i32 to index
        %get3A_70 = arith.constant 0 : index
        %get3A_71 = arith.constant 0 : index
        %get3A_72 = vector.load %arg12[%get3A_69, %get3A_70, %get3A_71] : memref<2x1024x1408xf32, #tpu.memory_space<vmem>>, vector<1x1024x1408xf32>
        %get3A_73 = vector.shape_cast %get3A_72 : vector<1x1024x1408xf32> to vector<1024x1408xf32>
        %convert_element_type3A_74 = arith.truncf %get3A_73 : vector<1024x1408xf32> to vector<1024x1408xbf16>
        %dot_general3A_75 = arith.constant dense<0.000000e+00> : vector<128x1408xf32>
        %dot_general3A_76 = tpu.matmul %get3A_61, %convert_element_type3A_74, %dot_general3A_75 {dimension_numbers = #tpu.dot_dimension_numbers<[1], [0], [0], [1], [0, 0, 1, 1], [], []>, transpose_lhs_hint = false} : vector<128x1024xbf16>, vector<1024x1408xbf16>, vector<128x1408xf32> -> vector<128x1408xf32>
        %neg3A = arith.constant 0.000000e+00 : f32
        %neg3A_77 = vector.broadcast %neg3A : f32 to vector<128x1408xf32>
        %neg3A_78 = arith.subf %neg3A_77, %dot_general3A_68 : vector<128x1408xf32>
        %exp3A = math.exp %neg3A_78 : vector<128x1408xf32>
        %add3A_79 = arith.constant 1.000000e+00 : f32
        %add3A_80 = vector.broadcast %add3A_79 : f32 to vector<128x1408xf32>
        %add3A_81 = arith.addf %add3A_80, %exp3A : vector<128x1408xf32>
        %div3A = arith.constant 1.000000e+00 : f32
        %div3A_82 = vector.broadcast %div3A : f32 to vector<128x1408xf32>
        %div3A_83 = arith.divf %div3A_82, %add3A_81 : vector<128x1408xf32>
        %mul3A_84 = arith.mulf %dot_general3A_68, %div3A_83 : vector<128x1408xf32>
        %mul3A_85 = arith.mulf %mul3A_84, %dot_general3A_76 : vector<128x1408xf32>
        %convert_element_type3A_86 = arith.truncf %mul3A_85 : vector<128x1408xf32> to vector<128x1408xbf16>
        %get3A_87 = arith.index_cast %rem3A_15 : i32 to index
        %get3A_88 = arith.constant 0 : index
        %get3A_89 = arith.constant 0 : index
        %get3A_90 = vector.load %arg13[%get3A_87, %get3A_88, %get3A_89] : memref<2x1408x1024xf32, #tpu.memory_space<vmem>>, vector<1x1408x1024xf32>
        %get3A_91 = vector.shape_cast %get3A_90 : vector<1x1408x1024xf32> to vector<1408x1024xf32>
        %convert_element_type3A_92 = arith.truncf %get3A_91 : vector<1408x1024xf32> to vector<1408x1024xbf16>
        %dot_general3A_93 = arith.constant dense<0.000000e+00> : vector<128x1024xf32>
        %dot_general3A_94 = tpu.matmul %convert_element_type3A_86, %convert_element_type3A_92, %dot_general3A_93 {dimension_numbers = #tpu.dot_dimension_numbers<[1], [0], [0], [1], [0, 0, 1, 1], [], []>, transpose_lhs_hint = false} : vector<128x1408xbf16>, vector<1408x1024xbf16>, vector<128x1024xf32> -> vector<128x1024xf32>
        %get3A_95 = arith.constant 0 : index
        %get3A_96 = arith.constant 0 : index
        %get3A_97 = vector.load %arg7[%get3A_95, %get3A_96] : memref<128x128xf32, #tpu.memory_space<vmem>>, vector<128x1xf32>
        %mul3A_98 = vector.broadcast %get3A_97 : vector<128x1xf32> to vector<128x1024xf32>
        %mul3A_99 = arith.mulf %dot_general3A_94, %mul3A_98 : vector<128x1024xf32>
        %get3A_100 = arith.index_cast %mul3A_16 : i32 to index
        %get3A_101 = arith.constant 0 : index
        %get3A_102 = vector.load %arg9[%get3A_100, %get3A_101] : memref<5120x1024xbf16, #tpu.memory_space<vmem>>, vector<128x1024xbf16>
        %convert_element_type3A_103 = arith.extf %get3A_102 : vector<128x1024xbf16> to vector<128x1024xf32>
        %add3A_104 = arith.addf %convert_element_type3A_103, %mul3A_99 : vector<128x1024xf32>
        %swap3A = arith.index_cast %rem3A_35 : i32 to index
        %swap3A_105 = arith.constant 0 : index
        %swap3A_106 = arith.constant 0 : index
        %swap3A_107 = vector.load %arg14[%swap3A, %swap3A_105, %swap3A_106] : memref<2x128x1024xf32, #tpu.memory_space<vmem>>, vector<1x128x1024xf32>
        %swap3A_108 = vector.shape_cast %swap3A_107 : vector<1x128x1024xf32> to vector<128x1024xf32>
        %swap3A_109 = vector.shape_cast %add3A_104 : vector<128x1024xf32> to vector<1x128x1024xf32>
        tpu.vector_store %arg14[%swap3A, %swap3A_105, %swap3A_106], %swap3A_109 {strides = array<i32>} : memref<2x128x1024xf32, #tpu.memory_space<vmem>>, vector<1x128x1024xf32>,
      } else {
      }
      %mul3A_45 = arith.constant 128 : i32
      %mul3A_46 = arith.muli %arg1, %mul3A_45 : i32
      %dma_start3A = tpu.memref_slice %arg19[%rem3A_35] : memref<2x!tpu.dma_semaphore, #tpu.memory_space<semaphore_mem>> -> memref<1x!tpu.dma_semaphore, #tpu.memory_space<semaphore_mem>>
      %dma_start3A_47 = tpu.memref_squeeze %dma_start3A : memref<1x!tpu.dma_semaphore, #tpu.memory_space<semaphore_mem>> -> memref<!tpu.dma_semaphore, #tpu.memory_space<semaphore_mem>>
      %dma_start3A_48 = arith.constant 0 : i32
      %dma_start3A_49 = tpu.memref_slice %arg8[%mul3A_46, %dma_start3A_48] : memref<5120x1024xf32, #tpu.memory_space<hbm>> -> memref<128x1024xf32, #tpu.memory_space<hbm>>
      %dma_start3A_50 = arith.constant 0 : i32
      %dma_start3A_51 = arith.constant 0 : i32
      %dma_start3A_52 = tpu.memref_slice %arg14[%rem3A_35, %dma_start3A_50, %dma_start3A_51] : memref<2x128x1024xf32, #tpu.memory_space<vmem>> -> memref<1x128x1024xf32, #tpu.memory_space<vmem>>
      %dma_start3A_53 = tpu.memref_squeeze %dma_start3A_52 : memref<1x128x1024xf32, #tpu.memory_space<vmem>> -> memref<128x1024xf32, #tpu.memory_space<vmem>>
      tpu.enqueue_dma source(%dma_start3A_53 : memref<128x1024xf32, #tpu.memory_space<vmem>>) target(%dma_start3A_49 : memref<128x1024xf32, #tpu.memory_space<hbm>>) target_semaphore(%dma_start3A_47 : memref<!tpu.dma_semaphore, #tpu.memory_space<semaphore_mem>>)
      %eq3A_54 = arith.constant 39 : i32
      %eq3A_55 = arith.cmpi eq, %arg1, %eq3A_54 : i32
      %convert_element_type3A_56 = arith.extui %eq3A_55 : i1 to i32
      %cond3A_57 = arith.constant 0 : i32
      %cond3A_58 = arith.cmpi ne, %convert_element_type3A_56, %cond3A_57 : i32
      scf.if %cond3A_58 {
        %sub3A = arith.constant 1 : i32
        %sub3A_59 = arith.subi %arg1, %sub3A : i32
        %add3A_60 = arith.constant 1 : i32
        %add3A_61 = arith.addi %arg1, %add3A_60 : i32
        %rem3A_62 = arith.constant 2 : i32
        %rem3A_63 = arith.remsi %add3A_61, %rem3A_62 : i32
        %mul3A_64 = arith.constant 128 : i32
        %mul3A_65 = arith.muli %sub3A_59, %mul3A_64 : i32
        %dma_wait3A = tpu.memref_slice %arg19[%rem3A_63] : memref<2x!tpu.dma_semaphore, #tpu.memory_space<semaphore_mem>> -> memref<1x!tpu.dma_semaphore, #tpu.memory_space<semaphore_mem>>
        %dma_wait3A_66 = tpu.memref_squeeze %dma_wait3A : memref<1x!tpu.dma_semaphore, #tpu.memory_space<semaphore_mem>> -> memref<!tpu.dma_semaphore, #tpu.memory_space<semaphore_mem>>
        %dma_wait3A_67 = arith.constant 0 : i32
        %dma_wait3A_68 = tpu.memref_slice %arg8[%mul3A_65, %dma_wait3A_67] : memref<5120x1024xf32, #tpu.memory_space<hbm>> -> memref<128x1024xf32, #tpu.memory_space<hbm>>
        %dma_wait3A_69 = arith.constant 0 : i32
        %dma_wait3A_70 = arith.constant 0 : i32
        %dma_wait3A_71 = tpu.memref_slice %arg14[%rem3A_63, %dma_wait3A_69, %dma_wait3A_70] : memref<2x128x1024xf32, #tpu.memory_space<vmem>> -> memref<1x128x1024xf32, #tpu.memory_space<vmem>>
        %dma_wait3A_72 = tpu.memref_squeeze %dma_wait3A_71 : memref<1x128x1024xf32, #tpu.memory_space<vmem>> -> memref<128x1024xf32, #tpu.memory_space<vmem>>
        tpu.wait_dma2 semaphore(%dma_wait3A_66 : memref<!tpu.dma_semaphore, #tpu.memory_space<semaphore_mem>>) src(%dma_wait3A_72 : memref<128x1024xf32, #tpu.memory_space<vmem>>) dst(%dma_wait3A_68 : memref<128x1024xf32, #tpu.memory_space<hbm>>)
        %mul3A_73 = arith.constant 128 : i32
        %mul3A_74 = arith.muli %arg1, %mul3A_73 : i32
        %dma_wait3A_75 = tpu.memref_slice %arg19[%rem3A_35] : memref<2x!tpu.dma_semaphore, #tpu.memory_space<semaphore_mem>> -> memref<1x!tpu.dma_semaphore, #tpu.memory_space<semaphore_mem>>
        %dma_wait3A_76 = tpu.memref_squeeze %dma_wait3A_75 : memref<1x!tpu.dma_semaphore, #tpu.memory_space<semaphore_mem>> -> memref<!tpu.dma_semaphore, #tpu.memory_space<semaphore_mem>>
        %dma_wait3A_77 = arith.constant 0 : i32
        %dma_wait3A_78 = tpu.memref_slice %arg8[%mul3A_74, %dma_wait3A_77] : memref<5120x1024xf32, #tpu.memory_space<hbm>> -> memref<128x1024xf32, #tpu.memory_space<hbm>>
        %dma_wait3A_79 = arith.constant 0 : i32
        %dma_wait3A_80 = arith.constant 0 : i32
        %dma_wait3A_81 = tpu.memref_slice %arg14[%rem3A_35, %dma_wait3A_79, %dma_wait3A_80] : memref<2x128x1024xf32, #tpu.memory_space<vmem>> -> memref<1x128x1024xf32, #tpu.memory_space<vmem>>
        %dma_wait3A_82 = tpu.memref_squeeze %dma_wait3A_81 : memref<1x128x1024xf32, #tpu.memory_space<vmem>> -> memref<128x1024xf32, #tpu.memory_space<vmem>>
        tpu.wait_dma2 semaphore(%dma_wait3A_76 : memref<!tpu.dma_semaphore, #tpu.memory_space<semaphore_mem>>) src(%dma_wait3A_82 : memref<128x1024xf32, #tpu.memory_space<vmem>>) dst(%dma_wait3A_78 : memref<128x1024xf32, #tpu.memory_space<hbm>>)
      } else {
      }
    } else {
    }
    return
  }
  func.func @transform_0(%arg0: i32, %arg1: i32, %arg2: memref<320xi32, #tpu.memory_space<smem>>) -> (i32, i32) {
    %sub3A = arith.constant 1 : i32
    %sub3A_0 = arith.subi %sub3A, %arg0 : i32
    %mul3A = arith.muli %arg1, %sub3A_0 : i32
    %c0_i32 = arith.constant 0 : i32
    %c0_i32_1 = arith.constant 0 : i32
    return %mul3A, %c0_i32 : i32, i32
  }
  func.func @transform_4(%arg0: i32, %arg1: i32, %arg2: memref<320xi32, #tpu.memory_space<smem>>) -> (i32, i32) {
    %c0_i32 = arith.constant 0 : i32
    %c0_i32_0 = arith.constant 0 : i32
    return %arg1, %c0_i32 : i32, i32
  }
}

</mosaic_0001>

<sc_bundles>
// kernel: kernel.6.cloned.1.call-start
scs
__scs_entry_jumppad:
0x0: {  	(pc) =	sbr.rel $0x88, $3  }
0x1: {  	(tag) =	ssettag $0x0;
	lr =	simm.s32 $0x1  }
0x2: {  	[smem:$0x3F9C] =	sst lr;
	_ =	strace $0xD0000000  }
0x3: {  	_ = 	snop  }
0x4: {  	_ = 	snop  }
0x5: {  	_ = 	snop  }
0x6: {  	_ = 	snop  }
0x7: {  	_ = 	snop  }
__scs_overlays_trampoline_lowered:
0x8: {  	[smem:$0x3FAB] =	sst s0  }
0x9: {  	[smem:$0x3FAC] =	sst s1  }
0xa: {  	[smem:$0x3FAD] =	sst s2  }
0xb: {  	[smem:$0x3FAE] =	sst s3  }
0xc: {  	[smem:$0x3FAF] =	sst s4  }
0xd: {  	[smem:$0x3FB0] =	sst s5  }
0xe: {  	[smem:$0x3FB1] =	sst s6  }
0xf: {  	[smem:$0x3FB2] =	sst s7  }
0x10: {  	[smem:$0x3FB3] =	sst s8  }
0x11: {  	[smem:$0x3FB4] =	sst s9;
	s0 =	simm.s32 @!p0 $0x0  }
0x12: {  	s1 =	sld [smem:$0x3F9A];
	s0 =	simm.s32 @p0 $0x1  }
0x13: {  	[smem:$0x3FB5] =	sst s0;
	s0 =	simm.s32 @!p1 $0x0  }
0x14: {  	s2 =	sld [smem:$0x3F99];
	s0 =	simm.s32 @p1 $0x1  }
0x15: {  	[smem:$0x3FB6] =	sst s0;
	s0 =	simm.s32 @!p2 $0x0  }
0x16: {  	s3 =	sld [smem:$0x3FDB];
	s0 =	simm.s32 @p2 $0x1  }
0x17: {  	s4 =	simm.s32 $0x1BF5;
	[smem:$0x3FB8] =	sst s0  }
0x18: {  	s0 =	sld [smem:$0x3F9B];
	_ =	swait.ge [sflag:s4], $0x0  }
0x19: {  	s7 =	sld [smem:$0x3F9C]  }
0x1a: {  	s8 =	sadd.s32 $0xFFFFE003, lr  }
0x1b: {  	s9 =	sadd.s32 $0xFFFFFEF7, lr;
	s5 =	simm.s32 $0xFFFFFFFF;
	p2 =	slt.u32 s8, $0xFFFFF086  }
0x1c: {  	p1 =	slt.u32 s9, $0xF7A;
	s5 =	simm.s32 @!p2 $0x0  }
0x1d: {  	s5 =	simm.s32 @p1 $0x1;
	p0 =	seq.s32 s7, s2  }
0x1e: {  	s7 =	smul.u32 @!p0 $0xF7A, s2;
	p2 =	seq.s32 @!p0 s5, $0x0  }
0x1f: {  	s9 =	smul.u32 $0xF7A, s1;
	s8 =	simm.s32 @!p0 $0x1BF5;
	p2 =	por !p2, p0  }
0x20: {  	[sflag:s8] =	ssyncset.s32 @!p0 $0xFFFFF086;
	s6 =	sadd.s32 @!p0 s3, s7;
	s7 =	simm.s32 @!p0 $0x108  }
0x21: {  	s3 =	sadd.s32 s3, s9;
	s6 =	sadd.s32 @!p0 $0x88, s6;
	s7 =	simm.s32 @p2 $0x1082  }
0x22: {  	[simem:s7], [sflag:s8] =	dma.local @!p0 [hbm:s6], $0xF7A  }
0x23: {  	s9 =	sor.u32 $0xD0000000, s2;
	s6 =	simm.s32 $0x108;
	_ =	swait.ge @!p0 [sflag:s8], $0x0  }
0x24: {  	s3 =	sadd.s32 $0x88, s3;
	s6 =	simm.s32 @!p1 $0x1082;
	[sflag:s4] =	ssyncset.s32 $0xFFFFF086  }
0x25: {  	[simem:s6], [sflag:s4] =	dma.local [hbm:s3], $0xF7A  }
0x26: {  	[smem:$0x3F9C] =	sst s1;
	(tag) =	ssettag s2;
	_ =	strace s9  }
0x27: {  	s1 =	sld [smem:$0x3FAC]  }
0x28: {  	s2 =	sld [smem:$0x3FAD]  }
0x29: {  	s4 =	sld [smem:$0x3FAF]  }
0x2a: {  	p0 =	seq.s32 s5, $0x0;
	s5 =	sld [smem:$0x3FB0]  }
0x2b: {  	s6 =	sld [smem:$0x3FB1]  }
0x2c: {  	s7 =	sld [smem:$0x3FB2]  }
0x2d: {  	s3 =	simm.s32 $0x108;
	s8 =	sld [smem:$0x3FB3]  }
0x2e: {  	s3 =	simm.s32 @!p0 $0x1082;
	s9 =	sld [smem:$0x3FB4]  }
0x2f: {  	lr =	sadd.s32 s0, s3;
	s0 =	sld [smem:$0x3FAB]  }
0x30: {  	s3 =	sld [smem:$0x3FAE]  }
0x31: {  	[smem:$0x3FB7] =	sst s10  }
0x32: {  	s10 =	sld [smem:$0x3FB5];
	_ =	sdelay $0x3  }
0x33: {  	p0 =	seq.s32 s10, $0x1;
	s10 =	sld [smem:$0x3FB7];
	_ =	sdelay $0x3  }
0x34: {  	[smem:$0x3FB7] =	sst s10  }
0x35: {  	s10 =	sld [smem:$0x3FB6];
	_ =	sdelay $0x3  }
0x36: {  	p1 =	seq.s32 s10, $0x1;
	s10 =	sld [smem:$0x3FB7];
	_ =	sdelay $0x3  }
0x37: {  	[smem:$0x3FB7] =	sst s10  }
0x38: {  	s10 =	sld [smem:$0x3FB8]  }
0x39: {  	_ = 	snop;
	(pc) =	sbr.ind lr, $3  }
0x3a: {  	_ = 	snop  }
0x3b: {  	_ = 	snop  }
0x3c: {  	p2 =	seq.s32 s10, $0x1;
	s10 =	sld [smem:$0x3FB7]  }
0x3d: {  	_ =	shalt  }
0x3e: {  	_ =	shalt  }
0x3f: {  	_ =	shalt  }
0x40: {  	_ =	shalt  }
0x41: {  	_ =	shalt  }
0x42: {  	_ =	shalt  }
0x43: {  	_ =	shalt  }
0x44: {  	_ =	shalt  }
0x45: {  	_ =	shalt  }
0x46: {  	_ =	shalt  }
0x47: {  	_ =	shalt  }
0x48: {  	_ =	shalt  }
0x49: {  	_ =	shalt  }
0x4a: {  	_ =	shalt  }
0x4b: {  	_ =	shalt  }
0x4c: {  	_ =	shalt  }
0x4d: {  	_ =	shalt  }
0x4e: {  	_ =	shalt  }
0x4f: {  	_ =	shalt  }
0x50: {  	_ =	shalt  }
0x51: {  	_ =	shalt  }
0x52: {  	_ =	shalt  }
0x53: {  	_ =	shalt  }
0x54: {  	_ =	shalt  }
0x55: {  	_ =	shalt  }
0x56: {  	_ =	shalt  }
0x57: {  	_ =	shalt  }
0x58: {  	_ =	shalt  }
0x59: {  	_ =	shalt  }
0x5a: {  	_ =	shalt  }
0x5b: {  	_ =	shalt  }
0x5c: {  	_ =	shalt  }
0x5d: {  	_ =	shalt  }
0x5e: {  	_ =	shalt  }
0x5f: {  	_ =	shalt  }
0x60: {  	_ =	shalt  }
0x61: {  	_ =	shalt  }
0x62: {  	_ =	shalt  }
0x63: {  	_ =	shalt  }
0x64: {  	_ =	shalt  }
0x65: {  	_ =	shalt  }
0x66: {  	_ =	shalt  }
0x67: {  	_ =	shalt  }
0x68: {  	_ =	shalt  }
0x69: {  	_ =	shalt  }
0x6a: {  	_ =	shalt  }
0x6b: {  	_ =	shalt  }
0x6c: {  	_ =	shalt  }
0x6d: {  	_ =	shalt  }
0x6e: {  	_ =	shalt  }
0x6f: {  	_ =	shalt  }
0x70: {  	_ =	shalt  }
0x71: {  	_ =	shalt  }
0x72: {  	_ =	shalt  }
0x73: {  	_ =	shalt  }
0x74: {  	_ =	shalt  }
0x75: {  	_ =	shalt  }
0x76: {  	_ =	shalt  }
0x77: {  	_ =	shalt  }
0x78: {  	_ =	shalt  }
0x79: {  	_ =	shalt  }
0x7a: {  	_ =	shalt  }
0x7b: {  	_ =	shalt  }
0x7c: {  	_ =	shalt  }
0x7d: {  	_ =	shalt  }
0x7e: {  	_ =	shalt  }
0x7f: {  	_ =	shalt  }
0x80: {  	_ =	shalt  }
0x81: {  	_ =	shalt  }
0x82: {  	_ =	shalt  }
0x83: {  	_ =	shalt  }
0x84: {  	_ =	shalt  }
0x85: {  	_ =	shalt  }
0x86: {  	_ =	shalt  }
0x87: {  	_ =	shalt  }
.Lfunc_end0:
.L_simem_size_0:
called_computation_lowered:
.L_overlay_start_0:
0x88: {  	s2 =	sld [smem:$0x3FD9]  }
0x89: {  	s3 =	sld [smem:$0x3FFE];
	_ =	sdelay $0x1  }
0x8a: {  	s1 =	srdreg.scid  }
0x8b: {  	s0 =	sand.u32 $0x1, s1  }
0x8c: {  	s14 =	sshll.u32 s0, $0xA;
	s2 =	sadd.s32 s3, s2  }
0x8d: {  	s2 =	sadd.s32 s2, s14  }
0x8e: {  	[smem:$0x3FC3] =	sst s2  }
0x8f: {  	_ = 	snop  }
0x90: {  	s2 =	sld [smem:$0x3FD0];
	_ =	sdelay $0x2  }
0x91: {  	s4 =	simm.s32 $0xA;
	s5 =	simm.s32 $0x10;
	s15 =	sld [smem:$0x3FC9]  }
0x92: {  	[smem:s5], [sflag:s4] =	dma.local [hbm:s2], $0x1  }
0x93: {  	_ =	swait.eq [sflag:s4], $0x1  }
0x94: {  	[sflag:s4] =	ssyncset.done $0x0  }
0x95: {  	s16 =	sld [smem:$0x10];
	[sflag:s4] =	ssyncadd.s32 $0xFFFFFFFF  }
0x96: {  	s17 =	sld [smem:$0x11];
	(tm) =	ssettm $0x1  }
0x97: {  	s18 =	sld [smem:$0x3FFB];
	_ =	sdelay $0x3  }
0x98: {  	_ =	strace s18  }
0x99: {  	s5 =	sld [smem:$0x3FFC];
	_ =	sdelay $0x3  }
0x9a: {  	_ =	strace s5  }
0x9b: {  	s5 =	sld [smem:$0x3FFD];
	_ =	sdelay $0x3  }
0x9c: {  	_ =	strace s5  }
0x9d: {  	_ =	strace $0x8FFFFFFF  }
0x9e: {  	s19 =	sld [smem:$0x3FDB];
	_ =	sdelay $0x1  }
0x9f: {  	s6 =	simm.s32 $_scs_section_size  }
0xa0: {  	s7 =	simm.s32 $_size__tile_overlayer_lowered;
	s8 =	simm.s32 $_tile_overlayer_lowered  }
0xa1: {  	s22 =	simm.s32 $0x1BFF;
	s21 =	sshll.u32 s8, $0x1;
	s5 =	sadd.s32 s6, s19  }
0xa2: {  	s9 =	simm.s32 $0x0;
	s20 =	sshll.u32 s7, $0x1;
	s7 =	sadd.s32 s21, s5  }
0xa3: {  	[timem:s9], [sflag:s22] =	dma.local [hbm:s7], s20  }
0xa4: {  	_ =	swait.ge [sflag:s22], s20  }
0xa5: {  	s6 =	ssub.s32 $0x0, s20;
	[sflag:s22] =	ssyncset.done $0x0  }
0xa6: {  	[sflag:s22] =	ssyncadd.s32 s6;
	_ =	sdelay $0x1  }
0xa7: {  	s23 =	simm.s32 $0x1B8B  }
0xa8: {  	_ =	swait.ge [sflag:s23], $0x1  }
0xa9: {  	[sflag:s23] =	ssyncset.done $0x0  }
0xaa: {  	s25 =	simm.s32 $0x1B8E;
	s24 =	sld [smem:$0x3FFE];
	[sflag:s23] =	ssyncadd.s32 $0xFFFFFFFF  }
0xab: {  	s26 =	simm.s32 $execute0_lowered;
	[smem:$0x3FD2] =	sst s25  }
0xac: {  	s7 =	sshll.u32 s26, $0x1;
	_ =	strace $0x80000046;
	[dreg:$0x1] =	wrdreg $0xFFFFFFFF  }
0xad: {  	s28 =	simm.s32 $_size_execute0_lowered;
	s5 =	sadd.s32 s5, s7;
	[dreg:$0x0] =	wrdreg $0x0  }
0xae: {  	s7 =	sshll.u32 s28, $0x1;
	[dreg:$0x2] =	wrdreg s5  }
0xaf: {  	[dreg:$0x3] =	wrdreg s7  }
0xb0: {  	[dreg:$0x4] =	wrdreg $0xC0  }
0xb1: {  	_ =	task [dreg:s9], $0x5FFFF  }
0xb2: {  	[dreg:$0x1] =	wrdreg $0xFFFFFFFF  }
0xb3: {  	[dreg:$0x0] =	wrdreg $0x60  }
0xb4: {  	[dreg:$0x2] =	wrdreg s15  }
0xb5: {  	[dreg:$0x3] =	wrdreg s17  }
0xb6: {  	[dreg:$0x4] =	wrdreg s24  }
0xb7: {  	[dreg:$0x5] =	wrdreg s16  }
0xb8: {  	[dreg:$0x6] =	wrdreg $0x9  }
0xb9: {  	_ =	task.clear_ibuf [dreg:s9], $0x7FFFF;
	_ =	strace $0x90000046  }
0xba: {  	s29 =	simm.s32 $0x9;
	_ =	strace $0x80000048  }
0xbb: {  	_ =	swait.ge [sflag:s29], $0x1  }
0xbc: {  	[sflag:s29] =	ssyncadd.s32 $0xFFFFFFFF  }
0xbd: {  	_ =	strace $0x90000048  }
0xbe: {  	_ =	sfence  }
0xbf: {  	s30 =	sld [smem:$0x0];
	_ =	sdelay $0x2  }
0xc0: {  	s31 =	sshll.u32 s1, $0xD;
	s1 =	sshrl.u32 s1, $0x2  }
0xc1: {  	s3 =	sand.u32 $0x4000, s31;
	s1 =	sadd.s32 s1, s30  }
0xc2: {  	s0 =	sor.u32 s3, s0;
	s1 =	sshll.u32 s1, $0x11  }
0xc3: {  	s0 =	sor.u32 s1, s0  }
0xc4: {  	s0 =	sadd.s32 $0x8F2B, s0  }
0xc5: {  	[sflag:s0] =	ssyncadd.remote.s32 $0x1  }
0xc6: {  	_ =	sfence.sel $0xFFFF  }
0xc7: {  	[dreg:$0x0] =	wrdreg $0xFFFFFFFF;
	(pc) =	sbr.abs _section_cstart, $3  }
0xc8: {  	[dreg:$0x1] =	wrdreg $0xFFFFFFFF  }
0xc9: {  	_ =	task.clear_ibuf [dreg:s9], $0x2FFFF;
	_ =	strace $0x9FFFFFFF  }
0xca: {  	(tm) =	ssettm $0x7FFFFFFF  }
0xcb: {  	_ =	shalt  }
tec
execute0_lowered:
.L_overlay_start_1:
0x0: {  	(tag) =	ssettag $0x1  }
0x1: {  	s0 =	rddreg [dreg:$0x0]  }
0x2: {  	s1 =	rddreg [dreg:$0x1]  }
0x3: {  	s2 =	rddreg [dreg:$0x2];
	s3 =	srdreg.scid  }
0x4: {  	s5 =	stileid.u32;
	s9 =	simm.s32 $0x5;
	s10 =	simm.s32 $0x2800  }
0x5: {  	s11 =	simm.s32 $0x3000;
	s12 =	simm.s32 $0x3800;
	s13 =	simm.s32 $0x4000  }
0x6: {  	s14 =	simm.s32 $0x4800;
	s15 =	simm.s32 $0x5000;
	s16 =	simm.s32 $0x5800  }
0x7: {  	s17 =	simm.s32 $0x6000;
	s18 =	simm.s32 $0x6800;
	s19 =	simm.s32 $0x7000  }
0x8: {  	s28 =	simm.s32 $0xA800;
	s29 =	simm.s32 $0xB000;
	s30 =	simm.s32 $0xB800  }
0x9: {  	s4 =	sand.u32 $0x1, s3;
	s5 =	sshll.u32 s5, $0x1;
	s3 =	simm.s32 $0x0  }
0xa: {  	s31 =	simm.s32 $0xC000;
	s5 =	sor.u32 s4, s5;
	[smem:$0x7FF] =	sst s3  }
0xb: {  	s23 =	ssub.s32 $0x2, s4;
	s4 =	sadd.s32 $0x19000, s2;
	s6 =	sshll.u32 s5, $0xA  }
0xc: {  	s7 =	sshll.u32 s5, $0xD;
	_ =	strace $0x80000047;
	s5 =	sshll.u32 s5, $0x4  }
0xd: {  	s25 =	sshrl.u32 s23, $0x1;
	s6 =	sadd.s32 s6, s2;
	s0 =	sadd.s32 s0, s7  }
0xe: {  	s21 =	sadd.s32 s5, s2;
	s24 =	sadd.s32 s1, s5;
	s1 =	ssub.s32 s23, s25  }
0xf: {  	s5 =	sadd.s32 $0x19100, s2;
	s7 =	sadd.s32 $0x19300, s2;
	s23 =	simm.s32 $0x9000  }
0x10: {  	s25 =	simm.s32 $0xA000;
	[dreg:$0x5] =	wrdreg s0;
	s20 =	sadd.s32 $0x11000, s6  }
0x11: {  	s22 =	sadd.s32 $0x9000, s6;
	[dreg:$0x8] =	wrdreg s24;
	s26 =	sadd.s32 $0x8E00, s21  }
0x12: {  	v2 =	vlaneseq.u32;
	s6 =	sadd.s32 $0x19200, s2;
	s8 =	smax.u32 s1, $0x1;
	[dreg:$0x6] =	wrdreg s20  }
0x13: {  	vm0 =	vmmov $0xffff;
	v1 =	vshrl.u32 v2, $0x3;
	s21 =	simm.s32 $0x8000;
	s24 =	simm.s32 $0x9800;
	[dreg:$0x7] =	wrdreg s22  }
0x14: {  	v0 =	vand.u32 $0x7, v2;
	v2 =	vor.u32 $0x8, v2;
	v1 =	vmul.u32 $0x8, v1;
	[dreg:$0x9] =	wrdreg s26;
	s20 =	simm.s32 $0x7800;
	s22 =	simm.s32 $0x8800  }
.LBB2_1:
0x15: {  	s26 =	rddreg [dreg:$0x5]  }
0x16: {  	[tilespmem:s3], [sflag:$0x5] =	stream.linear.gather [hbm4b:s26+s3], $0x10000, $0x38;
	[tilespmem:$0x14100] =	vst v63  }
0x17: {  	_ =	swait.ge [sflag:s9], $0x10000  }
0x18: {  	[sflag:s9] =	ssyncset.done $0x0  }
0x19: {  	s0 =	simm.s32 $0x10000;
	s2 =	rddreg [dreg:$0x6];
	[sflag:s9] =	ssyncadd.s32 $0xFFFF0000  }
0x1a: {  	[tilespmem:s0], [sflag:$0x5] =	stream.linear.gather [hbm4b:s2+s3], $0x2000, $0x38;
	[tilespmem:$0x14100] =	vst v63  }
0x1b: {  	_ =	swait.ge [sflag:s9], $0x2000  }
0x1c: {  	[sflag:s9] =	ssyncset.done $0x0  }
0x1d: {  	s2 =	simm.s32 $0x12000;
	s1 =	rddreg [dreg:$0x7];
	[sflag:s9] =	ssyncadd.s32 $0xFFFFE000  }
0x1e: {  	[tilespmem:s2], [sflag:$0x5] =	stream.linear.gather [hbm4b:s1+s3], $0x2000, $0x38;
	[tilespmem:$0x14100] =	vst v63  }
0x1f: {  	_ =	swait.ge [sflag:s9], $0x2000  }
0x20: {  	[sflag:s9] =	ssyncset.done $0x0  }
0x21: {  	s2 =	simm.s32 $0x14000;
	s1 =	rddreg [dreg:$0x8];
	[sflag:s9] =	ssyncadd.s32 $0xFFFFE000  }
0x22: {  	[tilespmem:s2], [sflag:$0x5] =	stream.linear.gather [hbm4b:s1+s3], $0x80, $0x38;
	[tilespmem:$0x14100] =	vst v63  }
0x23: {  	_ =	swait.ge [sflag:s9], $0x80  }
0x24: {  	[sflag:s9] =	ssyncset.done $0x0  }
0x25: {  	s1 =	simm.s32 $0x14080;
	s0 =	rddreg [dreg:$0x9];
	[sflag:s9] =	ssyncadd.s32 $0xFFFFFF80  }
0x26: {  	[tilespmem:s1], [sflag:$0x5] =	stream.linear.gather [hbm4b:s0+s3], $0x80, $0x38;
	[tilespmem:$0x14100] =	vst v63  }
0x27: {  	_ =	swait.ge [sflag:s9], $0x80  }
0x28: {  	[sflag:s9] =	ssyncset.done $0x0  }
0x29: {  	[sflag:s9] =	ssyncadd.s32 $0xFFFFFF80  }
0x2a: {  	v3 =	vld [tilespmem:$0x14000];
	_ =	sdelay $0x4  }
0x2b: {  	v4 =	vshll.u32 v3, $0x3  }
0x2c: {  	v3 =	vand.u32 $0x7, v3;
	v4 =	vand.u32 $0xFFFFFFC0, v4  }
0x2d: {  	v3 =	vor.u32 v3, v4  }
0x2e: {  	v4 =	vperm.xlane v3, v0;
	_ =	sdelay $0x1  }
0x2f: {  	v4 =	vadd.s32 v1, v4;
	_ =	sdelay $0x4  }
0x30: {  	[hbm4b:s4+s3] =	stream.indirect_vreg.scatter [tilespmem:s3], [sflag:$0x1], $0x80, v4, vm0, $0xb8;
	[tilespmem:$0x14100] =	vst v63  }
0x31: {  	s26 =	simm.s32 $0x800;
	v3 =	vperm.xlane v3, v2  }
0x32: {  	[hbm4b:s5+s3] =	stream.indirect_vreg.scatter [tilespmem:s26], [sflag:$0x1], $0x80, v4, vm0, $0xb8;
	[tilespmem:$0x14100] =	vst v63  }
0x33: {  	s1 =	simm.s32 $0x1000;
	v3 =	vadd.s32 v1, v3  }
0x34: {  	[hbm4b:s6+s3] =	stream.indirect_vreg.scatter [tilespmem:s1], [sflag:$0x1], $0x80, v4, vm0, $0xb8;
	[tilespmem:$0x14100] =	vst v63  }
0x35: {  	s2 =	simm.s32 $0x1800  }
0x36: {  	[hbm4b:s7+s3] =	stream.indirect_vreg.scatter [tilespmem:s2], [sflag:$0x1], $0x80, v4, vm0, $0xb8;
	[tilespmem:$0x14100] =	vst v63  }
0x37: {  	s2 =	simm.s32 $0x2000  }
0x38: {  	[hbm4b:s4+s3] =	stream.indirect_vreg.scatter [tilespmem:s2], [sflag:$0x1], $0x80, v3, vm0, $0xb8;
	[tilespmem:$0x14100] =	vst v63  }
0x39: {  	_ = 	snop  }
0x3a: {  	[hbm4b:s5+s3] =	stream.indirect_vreg.scatter [tilespmem:s10], [sflag:$0x1], $0x80, v3, vm0, $0xb8;
	[tilespmem:$0x14100] =	vst v63  }
0x3b: {  	_ = 	snop  }
0x3c: {  	[hbm4b:s6+s3] =	stream.indirect_vreg.scatter [tilespmem:s11], [sflag:$0x1], $0x80, v3, vm0, $0xb8;
	[tilespmem:$0x14100] =	vst v63  }
0x3d: {  	_ = 	snop  }
0x3e: {  	[hbm4b:s7+s3] =	stream.indirect_vreg.scatter [tilespmem:s12], [sflag:$0x1], $0x80, v3, vm0, $0xb8;
	[tilespmem:$0x14100] =	vst v63  }
0x3f: {  	v3 =	vld [tilespmem:$0x14010];
	_ =	sdelay $0x4  }
0x40: {  	v57 =	vshll.u32 v3, $0x3  }
0x41: {  	v3 =	vand.u32 $0x7, v3;
	v4 =	vand.u32 $0xFFFFFFC0, v57  }
0x42: {  	v3 =	vor.u32 v3, v4  }
0x43: {  	v4 =	vperm.xlane v3, v0;
	_ =	sdelay $0x1  }
0x44: {  	v4 =	vadd.s32 v1, v4;
	_ =	sdelay $0x4  }
0x45: {  	[hbm4b:s4+s3] =	stream.indirect_vreg.scatter [tilespmem:s13], [sflag:$0x1], $0x80, v4, vm0, $0xb8;
	[tilespmem:$0x14100] =	vst v63  }
0x46: {  	v3 =	vperm.xlane v3, v2  }
0x47: {  	[hbm4b:s5+s3] =	stream.indirect_vreg.scatter [tilespmem:s14], [sflag:$0x1], $0x80, v4, vm0, $0xb8;
	[tilespmem:$0x14100] =	vst v63  }
0x48: {  	v3 =	vadd.s32 v1, v3  }
0x49: {  	[hbm4b:s6+s3] =	stream.indirect_vreg.scatter [tilespmem:s15], [sflag:$0x1], $0x80, v4, vm0, $0xb8;
	[tilespmem:$0x14100] =	vst v63  }
0x4a: {  	_ = 	snop  }
0x4b: {  	[hbm4b:s7+s3] =	stream.indirect_vreg.scatter [tilespmem:s16], [sflag:$0x1], $0x80, v4, vm0, $0xb8;
	[tilespmem:$0x14100] =	vst v63  }
0x4c: {  	_ = 	snop  }
0x4d: {  	[hbm4b:s4+s3] =	stream.indirect_vreg.scatter [tilespmem:s17], [sflag:$0x1], $0x80, v3, vm0, $0xb8;
	[tilespmem:$0x14100] =	vst v63  }
0x4e: {  	_ = 	snop  }
0x4f: {  	[hbm4b:s5+s3] =	stream.indirect_vreg.scatter [tilespmem:s18], [sflag:$0x1], $0x80, v3, vm0, $0xb8;
	[tilespmem:$0x14100] =	vst v63  }
0x50: {  	_ = 	snop  }
0x51: {  	[hbm4b:s6+s3] =	stream.indirect_vreg.scatter [tilespmem:s19], [sflag:$0x1], $0x80, v3, vm0, $0xb8;
	[tilespmem:$0x14100] =	vst v63  }
0x52: {  	_ = 	snop  }
0x53: {  	[hbm4b:s7+s3] =	stream.indirect_vreg.scatter [tilespmem:s20], [sflag:$0x1], $0x80, v3, vm0, $0xb8;
	[tilespmem:$0x14100] =	vst v63  }
0x54: {  	v3 =	vld [tilespmem:$0x14020];
	_ =	sdelay $0x4  }
0x55: {  	v58 =	vshll.u32 v3, $0x3  }
0x56: {  	v3 =	vand.u32 $0x7, v3;
	v4 =	vand.u32 $0xFFFFFFC0, v58  }
0x57: {  	v3 =	vor.u32 v3, v4  }
0x58: {  	v4 =	vperm.xlane v3, v0;
	_ =	sdelay $0x1  }
0x59: {  	v4 =	vadd.s32 v1, v4;
	_ =	sdelay $0x4  }
0x5a: {  	[hbm4b:s4+s3] =	stream.indirect_vreg.scatter [tilespmem:s21], [sflag:$0x1], $0x80, v4, vm0, $0xb8;
	[tilespmem:$0x14100] =	vst v63  }
0x5b: {  	v3 =	vperm.xlane v3, v2  }
0x5c: {  	[hbm4b:s5+s3] =	stream.indirect_vreg.scatter [tilespmem:s22], [sflag:$0x1], $0x80, v4, vm0, $0xb8;
	[tilespmem:$0x14100] =	vst v63  }
0x5d: {  	v3 =	vadd.s32 v1, v3  }
0x5e: {  	[hbm4b:s6+s3] =	stream.indirect_vreg.scatter [tilespmem:s23], [sflag:$0x1], $0x80, v4, vm0, $0xb8;
	[tilespmem:$0x14100] =	vst v63  }
0x5f: {  	_ = 	snop  }
0x60: {  	[hbm4b:s7+s3] =	stream.indirect_vreg.scatter [tilespmem:s24], [sflag:$0x1], $0x80, v4, vm0, $0xb8;
	[tilespmem:$0x14100] =	vst v63  }
0x61: {  	_ = 	snop  }
0x62: {  	[hbm4b:s4+s3] =	stream.indirect_vreg.scatter [tilespmem:s25], [sflag:$0x1], $0x80, v3, vm0, $0xb8;
	[tilespmem:$0x14100] =	vst v63  }
0x63: {  	_ = 	snop  }
0x64: {  	[hbm4b:s5+s3] =	stream.indirect_vreg.scatter [tilespmem:s28], [sflag:$0x1], $0x80, v3, vm0, $0xb8;
	[tilespmem:$0x14100] =	vst v63  }
0x65: {  	_ = 	snop  }
0x66: {  	[hbm4b:s6+s3] =	stream.indirect_vreg.scatter [tilespmem:s29], [sflag:$0x1], $0x80, v3, vm0, $0xb8;
	[tilespmem:$0x14100] =	vst v63  }
0x67: {  	_ = 	snop  }
0x68: {  	[hbm4b:s7+s3] =	stream.indirect_vreg.scatter [tilespmem:s30], [sflag:$0x1], $0x80, v3, vm0, $0xb8;
	[tilespmem:$0x14100] =	vst v63  }
0x69: {  	v3 =	vld [tilespmem:$0x14030];
	_ =	sdelay $0x4  }
0x6a: {  	v59 =	vshll.u32 v3, $0x3  }
0x6b: {  	v3 =	vand.u32 $0x7, v3;
	v4 =	vand.u32 $0xFFFFFFC0, v59  }
0x6c: {  	v3 =	vor.u32 v3, v4  }
0x6d: {  	v4 =	vperm.xlane v3, v0;
	_ =	sdelay $0x1  }
0x6e: {  	v4 =	vadd.s32 v1, v4;
	_ =	sdelay $0x4  }
0x6f: {  	[hbm4b:s4+s3] =	stream.indirect_vreg.scatter [tilespmem:s31], [sflag:$0x1], $0x80, v4, vm0, $0xb8;
	[tilespmem:$0x14100] =	vst v63  }
0x70: {  	s0 =	simm.s32 $0xC800;
	v3 =	vperm.xlane v3, v2  }
0x71: {  	[hbm4b:s5+s3] =	stream.indirect_vreg.scatter [tilespmem:s0], [sflag:$0x1], $0x80, v4, vm0, $0xb8;
	[tilespmem:$0x14100] =	vst v63  }
0x72: {  	v3 =	vadd.s32 v1, v3;
	s0 =	simm.s32 $0xD000  }
0x73: {  	[hbm4b:s6+s3] =	stream.indirect_vreg.scatter [tilespmem:s0], [sflag:$0x1], $0x80, v4, vm0, $0xb8;
	[tilespmem:$0x14100] =	vst v63  }
0x74: {  	s0 =	simm.s32 $0xD800  }
0x75: {  	[hbm4b:s7+s3] =	stream.indirect_vreg.scatter [tilespmem:s0], [sflag:$0x1], $0x80, v4, vm0, $0xb8;
	[tilespmem:$0x14100] =	vst v63  }
0x76: {  	s0 =	simm.s32 $0xE000  }
0x77: {  	[hbm4b:s4+s3] =	stream.indirect_vreg.scatter [tilespmem:s0], [sflag:$0x1], $0x80, v3, vm0, $0xb8;
	[tilespmem:$0x14100] =	vst v63  }
0x78: {  	s0 =	simm.s32 $0xE800  }
0x79: {  	[hbm4b:s5+s3] =	stream.indirect_vreg.scatter [tilespmem:s0], [sflag:$0x1], $0x80, v3, vm0, $0xb8;
	[tilespmem:$0x14100] =	vst v63  }
0x7a: {  	s0 =	simm.s32 $0xF000  }
0x7b: {  	[hbm4b:s6+s3] =	stream.indirect_vreg.scatter [tilespmem:s0], [sflag:$0x1], $0x80, v3, vm0, $0xb8;
	[tilespmem:$0x14100] =	vst v63  }
0x7c: {  	s0 =	simm.s32 $0xF800  }
0x7d: {  	[hbm4b:s7+s3] =	stream.indirect_vreg.scatter [tilespmem:s0], [sflag:$0x1], $0x80, v3, vm0, $0xb8;
	[tilespmem:$0x14100] =	vst v63  }
0x7e: {  	v3 =	vld [tilespmem:$0x14080];
	_ =	sdelay $0x4  }
0x7f: {  	v60 =	vshll.u32 v3, $0x3  }
0x80: {  	v3 =	vand.u32 $0x7, v3;
	v4 =	vand.u32 $0xFFFFFFC0, v60  }
0x81: {  	v3 =	vor.u32 v3, v4  }
0x82: {  	v4 =	vperm.xlane v3, v0;
	_ =	sdelay $0x1  }
0x83: {  	v4 =	vadd.s32 v1, v4;
	_ =	sdelay $0x4  }
0x84: {  	[hbm4b:s4+s3] =	stream.indirect_vreg.scatter [tilespmem:s3], [sflag:$0x2], $0x80, v4, vm0, $0xb8;
	[tilespmem:$0x14100] =	vst v63  }
0x85: {  	v3 =	vperm.xlane v3, v2  }
0x86: {  	[hbm4b:s5+s3] =	stream.indirect_vreg.scatter [tilespmem:s26], [sflag:$0x2], $0x80, v4, vm0, $0xb8;
	[tilespmem:$0x14100] =	vst v63  }
0x87: {  	v3 =	vadd.s32 v1, v3  }
0x88: {  	[hbm4b:s6+s3] =	stream.indirect_vreg.scatter [tilespmem:s1], [sflag:$0x2], $0x80, v4, vm0, $0xb8;
	[tilespmem:$0x14100] =	vst v63  }
0x89: {  	s1 =	simm.s32 $0x1800  }
0x8a: {  	[hbm4b:s7+s3] =	stream.indirect_vreg.scatter [tilespmem:s1], [sflag:$0x2], $0x80, v4, vm0, $0xb8;
	[tilespmem:$0x14100] =	vst v63  }
0x8b: {  	_ = 	snop  }
0x8c: {  	[hbm4b:s4+s3] =	stream.indirect_vreg.scatter [tilespmem:s2], [sflag:$0x2], $0x80, v3, vm0, $0xb8;
	[tilespmem:$0x14100] =	vst v63  }
0x8d: {  	_ = 	snop  }
0x8e: {  	[hbm4b:s5+s3] =	stream.indirect_vreg.scatter [tilespmem:s10], [sflag:$0x2], $0x80, v3, vm0, $0xb8;
	[tilespmem:$0x14100] =	vst v63  }
0x8f: {  	_ = 	snop  }
0x90: {  	[hbm4b:s6+s3] =	stream.indirect_vreg.scatter [tilespmem:s11], [sflag:$0x2], $0x80, v3, vm0, $0xb8;
	[tilespmem:$0x14100] =	vst v63  }
0x91: {  	_ = 	snop  }
0x92: {  	[hbm4b:s7+s3] =	stream.indirect_vreg.scatter [tilespmem:s12], [sflag:$0x2], $0x80, v3, vm0, $0xb8;
	[tilespmem:$0x14100] =	vst v63  }
0x93: {  	v3 =	vld [tilespmem:$0x14090];
	_ =	sdelay $0x4  }
0x94: {  	v61 =	vshll.u32 v3, $0x3  }
0x95: {  	v3 =	vand.u32 $0x7, v3;
	v4 =	vand.u32 $0xFFFFFFC0, v61  }
0x96: {  	v3 =	vor.u32 v3, v4  }
0x97: {  	v4 =	vperm.xlane v3, v0;
	_ =	sdelay $0x1  }
0x98: {  	v4 =	vadd.s32 v1, v4;
	_ =	sdelay $0x4  }
0x99: {  	[hbm4b:s4+s3] =	stream.indirect_vreg.scatter [tilespmem:s13], [sflag:$0x2], $0x80, v4, vm0, $0xb8;
	[tilespmem:$0x14100] =	vst v63  }
0x9a: {  	v3 =	vperm.xlane v3, v2  }
0x9b: {  	[hbm4b:s5+s3] =	stream.indirect_vreg.scatter [tilespmem:s14], [sflag:$0x2], $0x80, v4, vm0, $0xb8;
	[tilespmem:$0x14100] =	vst v63  }
0x9c: {  	v3 =	vadd.s32 v1, v3  }
0x9d: {  	[hbm4b:s6+s3] =	stream.indirect_vreg.scatter [tilespmem:s15], [sflag:$0x2], $0x80, v4, vm0, $0xb8;
	[tilespmem:$0x14100] =	vst v63  }
0x9e: {  	_ = 	snop  }
0x9f: {  	[hbm4b:s7+s3] =	stream.indirect_vreg.scatter [tilespmem:s16], [sflag:$0x2], $0x80, v4, vm0, $0xb8;
	[tilespmem:$0x14100] =	vst v63  }
0xa0: {  	_ = 	snop  }
0xa1: {  	[hbm4b:s4+s3] =	stream.indirect_vreg.scatter [tilespmem:s17], [sflag:$0x2], $0x80, v3, vm0, $0xb8;
	[tilespmem:$0x14100] =	vst v63  }
0xa2: {  	_ = 	snop  }
0xa3: {  	[hbm4b:s5+s3] =	stream.indirect_vreg.scatter [tilespmem:s18], [sflag:$0x2], $0x80, v3, vm0, $0xb8;
	[tilespmem:$0x14100] =	vst v63  }
0xa4: {  	_ = 	snop  }
0xa5: {  	[hbm4b:s6+s3] =	stream.indirect_vreg.scatter [tilespmem:s19], [sflag:$0x2], $0x80, v3, vm0, $0xb8;
	[tilespmem:$0x14100] =	vst v63  }
0xa6: {  	_ = 	snop  }
0xa7: {  	[hbm4b:s7+s3] =	stream.indirect_vreg.scatter [tilespmem:s20], [sflag:$0x2], $0x80, v3, vm0, $0xb8;
	[tilespmem:$0x14100] =	vst v63  }
0xa8: {  	v3 =	vld [tilespmem:$0x140A0];
	_ =	sdelay $0x4  }
0xa9: {  	v62 =	vshll.u32 v3, $0x3  }
0xaa: {  	v3 =	vand.u32 $0x7, v3;
	v4 =	vand.u32 $0xFFFFFFC0, v62  }
0xab: {  	v3 =	vor.u32 v3, v4  }
0xac: {  	v4 =	vperm.xlane v3, v0;
	_ =	sdelay $0x1  }
0xad: {  	v4 =	vadd.s32 v1, v4;
	_ =	sdelay $0x4  }
0xae: {  	[hbm4b:s4+s3] =	stream.indirect_vreg.scatter [tilespmem:s21], [sflag:$0x2], $0x80, v4, vm0, $0xb8;
	[tilespmem:$0x14100] =	vst v63  }
0xaf: {  	v3 =	vperm.xlane v3, v2  }
0xb0: {  	[hbm4b:s5+s3] =	stream.indirect_vreg.scatter [tilespmem:s22], [sflag:$0x2], $0x80, v4, vm0, $0xb8;
	[tilespmem:$0x14100] =	vst v63  }
0xb1: {  	v3 =	vadd.s32 v1, v3  }
0xb2: {  	[hbm4b:s6+s3] =	stream.indirect_vreg.scatter [tilespmem:s23], [sflag:$0x2], $0x80, v4, vm0, $0xb8;
	[tilespmem:$0x14100] =	vst v63  }
0xb3: {  	_ = 	snop  }
0xb4: {  	[hbm4b:s7+s3] =	stream.indirect_vreg.scatter [tilespmem:s24], [sflag:$0x2], $0x80, v4, vm0, $0xb8;
	[tilespmem:$0x14100] =	vst v63  }
0xb5: {  	_ = 	snop  }
0xb6: {  	[hbm4b:s4+s3] =	stream.indirect_vreg.scatter [tilespmem:s25], [sflag:$0x2], $0x80, v3, vm0, $0xb8;
	[tilespmem:$0x14100] =	vst v63  }
0xb7: {  	_ = 	snop  }
0xb8: {  	[hbm4b:s5+s3] =	stream.indirect_vreg.scatter [tilespmem:s28], [sflag:$0x2], $0x80, v3, vm0, $0xb8;
	[tilespmem:$0x14100] =	vst v63  }
0xb9: {  	_ = 	snop  }
0xba: {  	[hbm4b:s6+s3] =	stream.indirect_vreg.scatter [tilespmem:s29], [sflag:$0x2], $0x80, v3, vm0, $0xb8;
	[tilespmem:$0x14100] =	vst v63  }
0xbb: {  	_ = 	snop  }
0xbc: {  	[hbm4b:s7+s3] =	stream.indirect_vreg.scatter [tilespmem:s30], [sflag:$0x2], $0x80, v3, vm0, $0xb8;
	[tilespmem:$0x14100] =	vst v63  }
0xbd: {  	v3 =	vld [tilespmem:$0x140B0];
	_ =	sdelay $0x4  }
0xbe: {  	v63 =	vshll.u32 v3, $0x3  }
0xbf: {  	v3 =	vand.u32 $0x7, v3;
	v4 =	vand.u32 $0xFFFFFFC0, v63  }
0xc0: {  	v3 =	vor.u32 v3, v4  }
0xc1: {  	v4 =	vperm.xlane v3, v0;
	_ =	sdelay $0x1  }
0xc2: {  	v4 =	vadd.s32 v1, v4;
	_ =	sdelay $0x4  }
0xc3: {  	[hbm4b:s4+s3] =	stream.indirect_vreg.scatter [tilespmem:s31], [sflag:$0x2], $0x80, v4, vm0, $0xb8;
	[tilespmem:$0x14100] =	vst v63  }
0xc4: {  	s2 =	simm.s32 $0xC800;
	v3 =	vperm.xlane v3, v2  }
0xc5: {  	[hbm4b:s5+s3] =	stream.indirect_vreg.scatter [tilespmem:s2], [sflag:$0x2], $0x80, v4, vm0, $0xb8;
	[tilespmem:$0x14100] =	vst v63  }
0xc6: {  	s26 =	simm.s32 $0xD000;
	v3 =	vadd.s32 v1, v3  }
0xc7: {  	[hbm4b:s6+s3] =	stream.indirect_vreg.scatter [tilespmem:s26], [sflag:$0x2], $0x80, v4, vm0, $0xb8;
	[tilespmem:$0x14100] =	vst v63  }
0xc8: {  	s1 =	simm.s32 $0xD800  }
0xc9: {  	[hbm4b:s7+s3] =	stream.indirect_vreg.scatter [tilespmem:s1], [sflag:$0x2], $0x80, v4, vm0, $0xb8;
	[tilespmem:$0x14100] =	vst v63  }
0xca: {  	s2 =	simm.s32 $0xE000  }
0xcb: {  	[hbm4b:s4+s3] =	stream.indirect_vreg.scatter [tilespmem:s2], [sflag:$0x2], $0x80, v3, vm0, $0xb8;
	[tilespmem:$0x14100] =	vst v63  }
0xcc: {  	s26 =	simm.s32 $0xE800  }
0xcd: {  	[hbm4b:s5+s3] =	stream.indirect_vreg.scatter [tilespmem:s26], [sflag:$0x2], $0x80, v3, vm0, $0xb8;
	[tilespmem:$0x14100] =	vst v63  }
0xce: {  	s1 =	simm.s32 $0xF000  }
0xcf: {  	[hbm4b:s6+s3] =	stream.indirect_vreg.scatter [tilespmem:s1], [sflag:$0x2], $0x80, v3, vm0, $0xb8;
	[tilespmem:$0x14100] =	vst v63  }
0xd0: {  	s0 =	simm.s32 $0x40;
	s2 =	simm.s32 $0xF800  }
0xd1: {  	[hbm4b:s7+s3] =	stream.indirect_vreg.scatter [tilespmem:s2], [sflag:$0x2], $0x80, v3, vm0, $0xb8;
	[tilespmem:$0x14100] =	vst v63  }
0xd2: {  	s26 =	rddreg [dreg:$0x3];
	s1 =	simm.s32 $0x10000;
	s2 =	simm.s32 $0x14000  }
0xd3: {  	[hbm4b:s26+s0] =	stream.indirect.scatter [tilespmem:s1], [sflag:$0x3], $0x80, s2, s0, $0xb8;
	[tilespmem:$0x14100] =	vst v63  }
0xd4: {  	s1 =	simm.s32 $0x12000;
	s2 =	simm.s32 $0x14080  }
0xd5: {  	[hbm4b:s26+s0] =	stream.indirect.scatter [tilespmem:s1], [sflag:$0x4], $0x80, s2, s0, $0xb8;
	[tilespmem:$0x14100] =	vst v63  }
0xd6: {  	s26 =	simm.s32 $0x1  }
0xd7: {  	_ =	swait.ge [sflag:s26], $0x10000  }
0xd8: {  	[sflag:s26] =	ssyncset.done $0x0  }
0xd9: {  	s1 =	simm.s32 $0x2;
	[sflag:s26] =	ssyncadd.s32 $0xFFFF0000  }
0xda: {  	_ =	swait.ge [sflag:s1], $0x10000  }
0xdb: {  	[sflag:s1] =	ssyncset.done $0x0  }
0xdc: {  	s2 =	simm.s32 $0x3;
	[sflag:s1] =	ssyncadd.s32 $0xFFFF0000  }
0xdd: {  	p0 =	sne.s32 s8, $0x1;
	_ =	swait.ge [sflag:s2], $0x2000  }
.Ltmp0:
0xde: {  	[sflag:s2] =	ssyncset.done $0x0;
	(pc) =	sbr.rel @p0 .LBB2_1-.Ltmp0, $4  }
0xdf: {  	s26 =	simm.s32 $0x4;
	[sflag:s2] =	ssyncadd.s32 $0xFFFFE000  }
0xe0: {  	_ =	swait.ge [sflag:s26], $0x2000  }
0xe1: {  	[sflag:s26] =	ssyncset.done $0x0  }
0xe2: {  	s8 =	sadd.s32 $0xFFFFFFFF, s8;
	[sflag:s26] =	ssyncadd.s32 $0xFFFFE000  }
0xe3: {  	_ =	sfence.sel $0x180000  }
0xe4: {  	[bflag:$0x0] =	sbarrier.arrive $0xFFFF  }
0xe5: {  	_ =	strace $0x90000047  }
0xe6: {  	s0 =	stileid.u32;
	[bflag:$0x2] =	sbarrier.arrive $0xFFFF  }
0xe7: {  	p0 =	sne.s32 s0, $0x0;
	s0 =	rddreg [dreg:$0x4]  }
0xe8: {  	s0 =	sadd.s32 @!p0 $0x100000, s0  }
0xe9: {  	[sflag:s0] =	ssyncadd.tile.s32 @!p0 $0x1;
	_ =	shalt  }
.Lfunc_end2:
_tile_overlayer_lowered:
.L_overlay_start_2:
0xea: {  	(tag) =	ssettag $0x2  }
0xeb: {  	s0 =	rddreg [dreg:$0x0];
	s2 =	stileid.u32  }
0xec: {  	s1 =	rddreg [dreg:$0x1];
	p0 =	sne.s32 s2, $0x0  }
0xed: {  	s3 =	rddreg [dreg:$0x2];
	[bflag:$0x3] =	sbarrier.arrive $0xFFFF;
	s2 =	simm.s32 @!p0 $0x1C05  }
0xee: {  	[timem:s3], [sflag:s2] =	dma.local @!p0 [hbm:s0], s1  }
0xef: {  	s0 =	simm.s32 @!p0 $0x5  }
0xf0: {  	_ =	swait.ge @!p0 [sflag:s0], s1  }
0xf1: {  	s1 =	ssub.s32 @!p0 $0x0, s1;
	[sflag:s0] =	ssyncset.done @!p0 $0x0  }
0xf2: {  	[sflag:s0] =	ssyncadd.s32 @!p0 s1  }
0xf3: {  	[bflag:$0x3] =	sbarrier.arrive $0xFFFF  }
0xf4: {  	_ =	shalt  }

// kernel: kernel.9.cloned.1.call-start
scs
__scs_entry_jumppad:
0x0: {  	(pc) =	sbr.rel $0x88, $3  }
0x1: {  	(tag) =	ssettag $0x0;
	lr =	simm.s32 $0x1  }
0x2: {  	[smem:$0x3F9C] =	sst lr;
	_ =	strace $0xD0000000  }
0x3: {  	_ = 	snop  }
0x4: {  	_ = 	snop  }
0x5: {  	_ = 	snop  }
0x6: {  	_ = 	snop  }
0x7: {  	_ = 	snop  }
__scs_overlays_trampoline_lowered:
0x8: {  	[smem:$0x3FAB] =	sst s0  }
0x9: {  	[smem:$0x3FAC] =	sst s1  }
0xa: {  	[smem:$0x3FAD] =	sst s2  }
0xb: {  	[smem:$0x3FAE] =	sst s3  }
0xc: {  	[smem:$0x3FAF] =	sst s4  }
0xd: {  	[smem:$0x3FB0] =	sst s5  }
0xe: {  	[smem:$0x3FB1] =	sst s6  }
0xf: {  	[smem:$0x3FB2] =	sst s7  }
0x10: {  	[smem:$0x3FB3] =	sst s8  }
0x11: {  	[smem:$0x3FB4] =	sst s9;
	s0 =	simm.s32 @!p0 $0x0  }
0x12: {  	s1 =	sld [smem:$0x3F9A];
	s0 =	simm.s32 @p0 $0x1  }
0x13: {  	[smem:$0x3FB5] =	sst s0;
	s0 =	simm.s32 @!p1 $0x0  }
0x14: {  	s2 =	sld [smem:$0x3F99];
	s0 =	simm.s32 @p1 $0x1  }
0x15: {  	[smem:$0x3FB6] =	sst s0;
	s0 =	simm.s32 @!p2 $0x0  }
0x16: {  	s3 =	sld [smem:$0x3FDB];
	s0 =	simm.s32 @p2 $0x1  }
0x17: {  	s4 =	simm.s32 $0x1BF5;
	[smem:$0x3FB8] =	sst s0  }
0x18: {  	s0 =	sld [smem:$0x3F9B];
	_ =	swait.ge [sflag:s4], $0x0  }
0x19: {  	s7 =	sld [smem:$0x3F9C]  }
0x1a: {  	s8 =	sadd.s32 $0xFFFFE003, lr  }
0x1b: {  	s9 =	sadd.s32 $0xFFFFFEF7, lr;
	s5 =	simm.s32 $0xFFFFFFFF;
	p2 =	slt.u32 s8, $0xFFFFF086  }
0x1c: {  	p1 =	slt.u32 s9, $0xF7A;
	s5 =	simm.s32 @!p2 $0x0  }
0x1d: {  	s5 =	simm.s32 @p1 $0x1;
	p0 =	seq.s32 s7, s2  }
0x1e: {  	s7 =	smul.u32 @!p0 $0xF7A, s2;
	p2 =	seq.s32 @!p0 s5, $0x0  }
0x1f: {  	s9 =	smul.u32 $0xF7A, s1;
	s8 =	simm.s32 @!p0 $0x1BF5;
	p2 =	por !p2, p0  }
0x20: {  	[sflag:s8] =	ssyncset.s32 @!p0 $0xFFFFF086;
	s6 =	sadd.s32 @!p0 s3, s7;
	s7 =	simm.s32 @!p0 $0x108  }
0x21: {  	s3 =	sadd.s32 s3, s9;
	s6 =	sadd.s32 @!p0 $0x88, s6;
	s7 =	simm.s32 @p2 $0x1082  }
0x22: {  	[simem:s7], [sflag:s8] =	dma.local @!p0 [hbm:s6], $0xF7A  }
0x23: {  	s9 =	sor.u32 $0xD0000000, s2;
	s6 =	simm.s32 $0x108;
	_ =	swait.ge @!p0 [sflag:s8], $0x0  }
0x24: {  	s3 =	sadd.s32 $0x88, s3;
	s6 =	simm.s32 @!p1 $0x1082;
	[sflag:s4] =	ssyncset.s32 $0xFFFFF086  }
0x25: {  	[simem:s6], [sflag:s4] =	dma.local [hbm:s3], $0xF7A  }
0x26: {  	[smem:$0x3F9C] =	sst s1;
	(tag) =	ssettag s2;
	_ =	strace s9  }
0x27: {  	s1 =	sld [smem:$0x3FAC]  }
0x28: {  	s2 =	sld [smem:$0x3FAD]  }
0x29: {  	s4 =	sld [smem:$0x3FAF]  }
0x2a: {  	p0 =	seq.s32 s5, $0x0;
	s5 =	sld [smem:$0x3FB0]  }
0x2b: {  	s6 =	sld [smem:$0x3FB1]  }
0x2c: {  	s7 =	sld [smem:$0x3FB2]  }
0x2d: {  	s3 =	simm.s32 $0x108;
	s8 =	sld [smem:$0x3FB3]  }
0x2e: {  	s3 =	simm.s32 @!p0 $0x1082;
	s9 =	sld [smem:$0x3FB4]  }
0x2f: {  	lr =	sadd.s32 s0, s3;
	s0 =	sld [smem:$0x3FAB]  }
0x30: {  	s3 =	sld [smem:$0x3FAE]  }
0x31: {  	[smem:$0x3FB7] =	sst s10  }
0x32: {  	s10 =	sld [smem:$0x3FB5];
	_ =	sdelay $0x3  }
0x33: {  	p0 =	seq.s32 s10, $0x1;
	s10 =	sld [smem:$0x3FB7];
	_ =	sdelay $0x3  }
0x34: {  	[smem:$0x3FB7] =	sst s10  }
0x35: {  	s10 =	sld [smem:$0x3FB6];
	_ =	sdelay $0x3  }
0x36: {  	p1 =	seq.s32 s10, $0x1;
	s10 =	sld [smem:$0x3FB7];
	_ =	sdelay $0x3  }
0x37: {  	[smem:$0x3FB7] =	sst s10  }
0x38: {  	s10 =	sld [smem:$0x3FB8]  }
0x39: {  	_ = 	snop;
	(pc) =	sbr.ind lr, $3  }
0x3a: {  	_ = 	snop  }
0x3b: {  	_ = 	snop  }
0x3c: {  	p2 =	seq.s32 s10, $0x1;
	s10 =	sld [smem:$0x3FB7]  }
0x3d: {  	_ =	shalt  }
0x3e: {  	_ =	shalt  }
0x3f: {  	_ =	shalt  }
0x40: {  	_ =	shalt  }
0x41: {  	_ =	shalt  }
0x42: {  	_ =	shalt  }
0x43: {  	_ =	shalt  }
0x44: {  	_ =	shalt  }
0x45: {  	_ =	shalt  }
0x46: {  	_ =	shalt  }
0x47: {  	_ =	shalt  }
0x48: {  	_ =	shalt  }
0x49: {  	_ =	shalt  }
0x4a: {  	_ =	shalt  }
0x4b: {  	_ =	shalt  }
0x4c: {  	_ =	shalt  }
0x4d: {  	_ =	shalt  }
0x4e: {  	_ =	shalt  }
0x4f: {  	_ =	shalt  }
0x50: {  	_ =	shalt  }
0x51: {  	_ =	shalt  }
0x52: {  	_ =	shalt  }
0x53: {  	_ =	shalt  }
0x54: {  	_ =	shalt  }
0x55: {  	_ =	shalt  }
0x56: {  	_ =	shalt  }
0x57: {  	_ =	shalt  }
0x58: {  	_ =	shalt  }
0x59: {  	_ =	shalt  }
0x5a: {  	_ =	shalt  }
0x5b: {  	_ =	shalt  }
0x5c: {  	_ =	shalt  }
0x5d: {  	_ =	shalt  }
0x5e: {  	_ =	shalt  }
0x5f: {  	_ =	shalt  }
0x60: {  	_ =	shalt  }
0x61: {  	_ =	shalt  }
0x62: {  	_ =	shalt  }
0x63: {  	_ =	shalt  }
0x64: {  	_ =	shalt  }
0x65: {  	_ =	shalt  }
0x66: {  	_ =	shalt  }
0x67: {  	_ =	shalt  }
0x68: {  	_ =	shalt  }
0x69: {  	_ =	shalt  }
0x6a: {  	_ =	shalt  }
0x6b: {  	_ =	shalt  }
0x6c: {  	_ =	shalt  }
0x6d: {  	_ =	shalt  }
0x6e: {  	_ =	shalt  }
0x6f: {  	_ =	shalt  }
0x70: {  	_ =	shalt  }
0x71: {  	_ =	shalt  }
0x72: {  	_ =	shalt  }
0x73: {  	_ =	shalt  }
0x74: {  	_ =	shalt  }
0x75: {  	_ =	shalt  }
0x76: {  	_ =	shalt  }
0x77: {  	_ =	shalt  }
0x78: {  	_ =	shalt  }
0x79: {  	_ =	shalt  }
0x7a: {  	_ =	shalt  }
0x7b: {  	_ =	shalt  }
0x7c: {  	_ =	shalt  }
0x7d: {  	_ =	shalt  }
0x7e: {  	_ =	shalt  }
0x7f: {  	_ =	shalt  }
0x80: {  	_ =	shalt  }
0x81: {  	_ =	shalt  }
0x82: {  	_ =	shalt  }
0x83: {  	_ =	shalt  }
0x84: {  	_ =	shalt  }
0x85: {  	_ =	shalt  }
0x86: {  	_ =	shalt  }
0x87: {  	_ =	shalt  }
.Lfunc_end0:
.L_simem_size_0:
called_computation.1_lowered:
.L_overlay_start_0:
0x88: {  	s2 =	sld [smem:$0x3FD9]  }
0x89: {  	s3 =	sld [smem:$0x3FFE];
	_ =	sdelay $0x1  }
0x8a: {  	s1 =	srdreg.scid  }
0x8b: {  	s0 =	sand.u32 $0x1, s1  }
0x8c: {  	s14 =	sshll.u32 s0, $0xA;
	s2 =	sadd.s32 s3, s2  }
0x8d: {  	s2 =	sadd.s32 s2, s14  }
0x8e: {  	[smem:$0x3FC3] =	sst s2  }
0x8f: {  	_ = 	snop  }
0x90: {  	s2 =	sld [smem:$0x3FD0];
	_ =	sdelay $0x2  }
0x91: {  	s15 =	simm.s32 $0xA;
	s4 =	simm.s32 $0x10  }
0x92: {  	[smem:s4], [sflag:s15] =	dma.local [hbm:s2], $0x1  }
0x93: {  	_ =	swait.eq [sflag:s15], $0x1  }
0x94: {  	[sflag:s15] =	ssyncset.done $0x0  }
0x95: {  	[sflag:s15] =	ssyncadd.s32 $0xFFFFFFFF  }
0x96: {  	s16 =	sld [smem:$0x10];
	(tm) =	ssettm $0x1  }
0x97: {  	s17 =	sld [smem:$0x3FFB];
	_ =	sdelay $0x3  }
0x98: {  	_ =	strace s17  }
0x99: {  	s3 =	sld [smem:$0x3FFC];
	_ =	sdelay $0x3  }
0x9a: {  	_ =	strace s3  }
0x9b: {  	s3 =	sld [smem:$0x3FFD];
	_ =	sdelay $0x3  }
0x9c: {  	_ =	strace s3  }
0x9d: {  	_ =	strace $0x8FFFFFFF  }
0x9e: {  	s18 =	sld [smem:$0x3FDB];
	_ =	sdelay $0x1  }
0x9f: {  	s19 =	simm.s32 $_scs_section_size  }
0xa0: {  	s5 =	simm.s32 $_size__tile_overlayer_lowered;
	s6 =	simm.s32 $_tile_overlayer_lowered  }
0xa1: {  	s22 =	simm.s32 $0x1BFF;
	s21 =	sshll.u32 s6, $0x1;
	s3 =	sadd.s32 s19, s18  }
0xa2: {  	s7 =	simm.s32 $0x0;
	s20 =	sshll.u32 s5, $0x1;
	s5 =	sadd.s32 s21, s3  }
0xa3: {  	[timem:s7], [sflag:s22] =	dma.local [hbm:s5], s20  }
0xa4: {  	_ =	swait.ge [sflag:s22], s20  }
0xa5: {  	s4 =	ssub.s32 $0x0, s20;
	[sflag:s22] =	ssyncset.done $0x0  }
0xa6: {  	[sflag:s22] =	ssyncadd.s32 s4;
	_ =	sdelay $0x1  }
0xa7: {  	s23 =	simm.s32 $0x1B8B  }
0xa8: {  	_ =	swait.ge [sflag:s23], $0x1  }
0xa9: {  	[sflag:s23] =	ssyncset.done $0x0  }
0xaa: {  	s25 =	simm.s32 $0x1B8E;
	s24 =	sld [smem:$0x3FFE];
	[sflag:s23] =	ssyncadd.s32 $0xFFFFFFFF  }
0xab: {  	s26 =	simm.s32 $execute0_lowered;
	[smem:$0x3FD2] =	sst s25  }
0xac: {  	s5 =	sshll.u32 s26, $0x1;
	_ =	strace $0x80000049;
	[dreg:$0x1] =	wrdreg $0xFFFFFFFF  }
0xad: {  	s28 =	simm.s32 $_size_execute0_lowered;
	s3 =	sadd.s32 s3, s5;
	[dreg:$0x0] =	wrdreg $0x0  }
0xae: {  	s5 =	sshll.u32 s28, $0x1;
	[dreg:$0x2] =	wrdreg s3  }
0xaf: {  	[dreg:$0x3] =	wrdreg s5  }
0xb0: {  	[dreg:$0x4] =	wrdreg $0xC0  }
0xb1: {  	_ =	task [dreg:s7], $0x5FFFF  }
0xb2: {  	[dreg:$0x1] =	wrdreg $0xFFFFFFFF  }
0xb3: {  	[dreg:$0x0] =	wrdreg $0x60  }
0xb4: {  	[dreg:$0x2] =	wrdreg s24  }
0xb5: {  	[dreg:$0x3] =	wrdreg s16  }
0xb6: {  	[dreg:$0x4] =	wrdreg $0x9  }
0xb7: {  	_ =	task.clear_ibuf [dreg:s7], $0x5FFFF;
	_ =	strace $0x90000049  }
0xb8: {  	s29 =	simm.s32 $0x9;
	_ =	strace $0x8000004B  }
0xb9: {  	_ =	swait.ge [sflag:s29], $0x1  }
0xba: {  	[sflag:s29] =	ssyncadd.s32 $0xFFFFFFFF  }
0xbb: {  	_ =	strace $0x9000004B  }
0xbc: {  	_ =	sfence  }
0xbd: {  	s30 =	sld [smem:$0x0];
	_ =	sdelay $0x2  }
0xbe: {  	s31 =	sshll.u32 s1, $0xD;
	s1 =	sshrl.u32 s1, $0x2  }
0xbf: {  	s3 =	sand.u32 $0x4000, s31;
	s1 =	sadd.s32 s1, s30  }
0xc0: {  	s0 =	sor.u32 s3, s0;
	s1 =	sshll.u32 s1, $0x11  }
0xc1: {  	s0 =	sor.u32 s1, s0  }
0xc2: {  	s0 =	sadd.s32 $0x8F2B, s0  }
0xc3: {  	[sflag:s0] =	ssyncadd.remote.s32 $0x1  }
0xc4: {  	_ =	sfence.sel $0xFFFF  }
0xc5: {  	[dreg:$0x0] =	wrdreg $0xFFFFFFFF;
	(pc) =	sbr.abs _section_cstart, $3  }
0xc6: {  	[dreg:$0x1] =	wrdreg $0xFFFFFFFF  }
0xc7: {  	_ =	task.clear_ibuf [dreg:s7], $0x2FFFF;
	_ =	strace $0x9FFFFFFF  }
0xc8: {  	(tm) =	ssettm $0x7FFFFFFF  }
0xc9: {  	_ =	shalt  }
tec
execute0_lowered:
.L_overlay_start_1:
0x0: {  	(tag) =	ssettag $0x1  }
0x1: {  	s0 =	rddreg [dreg:$0x0];
	s1 =	srdreg.scid  }
0x2: {  	s3 =	stileid.u32;
	s2 =	rddreg [dreg:$0x1];
	s5 =	simm.s32 $0x0  }
0x3: {  	s11 =	simm.s32 $0x3;
	s12 =	simm.s32 $0xA200;
	s10 =	simm.s32 $0xBA00  }
0x4: {  	s13 =	simm.s32 $0xCA00;
	s14 =	simm.s32 $0xD200;
	s15 =	simm.s32 $0xDA00  }
0x5: {  	s16 =	simm.s32 $0xE200;
	s17 =	simm.s32 $0xEA00;
	s18 =	simm.s32 $0xF200  }
0x6: {  	s19 =	simm.s32 $0xFA00;
	s20 =	simm.s32 $0x1;
	s21 =	simm.s32 $0x2  }
0x7: {  	s22 =	simm.s32 $0x10200;
	s1 =	sand.u32 $0x1, s1;
	s3 =	sshll.u32 s3, $0x1  }
0x8: {  	[smem:$0x7FF] =	sst s5;
	s7 =	sadd.s32 $0xB9C00, s0;
	s8 =	sadd.s32 $0xB9D00, s0  }
0x9: {  	s4 =	sor.u32 s1, s3;
	s1 =	ssub.s32 $0x2, s1;
	_ =	strace $0x8000004A  }
0xa: {  	s3 =	sshll.u32 s4, $0x5;
	s6 =	sshrl.u32 s1, $0x1;
	s4 =	sshll.u32 s4, $0xD  }
0xb: {  	s29 =	sadd.s32 s3, s0;
	s3 =	sadd.s32 $0xB9A00, s0;
	s1 =	ssub.s32 s1, s6  }
0xc: {  	s6 =	sadd.s32 $0xB9B00, s0;
	s9 =	sadd.s32 s2, s4;
	s30 =	sadd.s32 $0xB9000, s29  }
0xd: {  	v2 =	vlaneseq.u32;
	s4 =	simm.s32 $0xAA00;
	s5 =	sadd.s32 $0xB9400, s29;
	[dreg:$0x3] =	wrdreg s30  }
0xe: {  	vm0 =	vmmov $0xffff;
	v1 =	vshrl.u32 v2, $0x3;
	s2 =	simm.s32 $0xC200;
	s31 =	smax.u32 s1, $0x1;
	[dreg:$0x4] =	wrdreg s5  }
0xf: {  	v0 =	vand.u32 $0x7, v2;
	v2 =	vor.u32 $0x8, v2;
	v1 =	vmul.u32 $0x8, v1;
	s1 =	simm.s32 $0x0;
	[dreg:$0x5] =	wrdreg s31;
	s5 =	simm.s32 $0xB200  }
.LBB2_1:
0x10: {  	[dreg:$0x6] =	wrdreg s1  }
0x11: {  	s31 =	simm.s32 $0x0;
	s0 =	rddreg [dreg:$0x3]  }
0x12: {  	[tilespmem:s31], [sflag:$0x3] =	stream.linear.gather [hbm4b:s0+s31], $0x100, $0x38;
	[tilespmem:$0x18200] =	vst v63  }
0x13: {  	_ =	swait.ge [sflag:s11], $0x100  }
0x14: {  	[sflag:s11] =	ssyncset.done $0x0  }
0x15: {  	s24 =	simm.s32 $0x100;
	s23 =	rddreg [dreg:$0x4];
	[sflag:s11] =	ssyncadd.s32 $0xFFFFFF00  }
0x16: {  	[tilespmem:s24], [sflag:$0x3] =	stream.linear.gather [hbm4b:s23+s31], $0x100, $0x38;
	[tilespmem:$0x18200] =	vst v63  }
0x17: {  	_ =	swait.ge [sflag:s11], $0x100  }
0x18: {  	p0 =	por $0x1, $0x1;
	[sflag:s11] =	ssyncset.done $0x0  }
0x19: {  	s0 =	simm.s32 $0x0;
	s23 =	simm.s32 $0x0;
	[sflag:s11] =	ssyncadd.s32 $0xFFFFFF00  }
.LBB2_2:
0x1a: {  	s25 =	sshll.u32 s23, $0x7  }
0x1b: {  	v3 =	vld [tilespmem:s25+$0x0];
	_ =	sdelay $0x4  }
0x1c: {  	v4 =	vshll.u32 v3, $0x3  }
0x1d: {  	v3 =	vand.u32 $0x7, v3;
	v4 =	vand.u32 $0xFFFFFFC0, v4  }
0x1e: {  	v3 =	vor.u32 v3, v4  }
0x1f: {  	v4 =	vperm.xlane v3, v0;
	_ =	sdelay $0x1  }
0x20: {  	v4 =	vadd.s32 v1, v4;
	_ =	sdelay $0x3  }
0x21: {  	s24 =	simm.s32 $0x0;
	s1 =	simm.s32 $0x200  }
0x22: {  	[tilespmem:s1], [sflag:$0x1] =	stream.indirect_vreg.gather [hbm4b:s3+s24], $0x80, v4, vm0, $0xb8;
	[tilespmem:$0x18200] =	vst v63  }
0x23: {  	s28 =	simm.s32 $0xA00;
	v3 =	vperm.xlane v3, v2  }
0x24: {  	[tilespmem:s28], [sflag:$0x1] =	stream.indirect_vreg.gather [hbm4b:s6+s24], $0x80, v4, vm0, $0xb8;
	[tilespmem:$0x18200] =	vst v63  }
0x25: {  	s29 =	simm.s32 $0x1200;
	v3 =	vadd.s32 v1, v3  }
0x26: {  	[tilespmem:s29], [sflag:$0x1] =	stream.indirect_vreg.gather [hbm4b:s7+s24], $0x80, v4, vm0, $0xb8;
	[tilespmem:$0x18200] =	vst v63  }
0x27: {  	s30 =	simm.s32 $0x1A00  }
0x28: {  	[tilespmem:s30], [sflag:$0x1] =	stream.indirect_vreg.gather [hbm4b:s8+s24], $0x80, v4, vm0, $0xb8;
	[tilespmem:$0x18200] =	vst v63  }
0x29: {  	s31 =	simm.s32 $0x2200  }
0x2a: {  	[tilespmem:s31], [sflag:$0x1] =	stream.indirect_vreg.gather [hbm4b:s3+s24], $0x80, v3, vm0, $0xb8;
	[tilespmem:$0x18200] =	vst v63  }
0x2b: {  	s26 =	simm.s32 $0x2A00  }
0x2c: {  	[tilespmem:s26], [sflag:$0x1] =	stream.indirect_vreg.gather [hbm4b:s6+s24], $0x80, v3, vm0, $0xb8;
	[tilespmem:$0x18200] =	vst v63  }
0x2d: {  	s28 =	simm.s32 $0x3200  }
0x2e: {  	[tilespmem:s28], [sflag:$0x1] =	stream.indirect_vreg.gather [hbm4b:s7+s24], $0x80, v3, vm0, $0xb8;
	[tilespmem:$0x18200] =	vst v63  }
0x2f: {  	s29 =	simm.s32 $0x3A00  }
0x30: {  	[tilespmem:s29], [sflag:$0x1] =	stream.indirect_vreg.gather [hbm4b:s8+s24], $0x80, v3, vm0, $0xb8;
	[tilespmem:$0x18200] =	vst v63  }
0x31: {  	v3 =	vld [tilespmem:s25+$0x10];
	_ =	sdelay $0x4  }
0x32: {  	v61 =	vshll.u32 v3, $0x3  }
0x33: {  	v3 =	vand.u32 $0x7, v3;
	v4 =	vand.u32 $0xFFFFFFC0, v61  }
0x34: {  	v3 =	vor.u32 v3, v4  }
0x35: {  	v4 =	vperm.xlane v3, v0;
	_ =	sdelay $0x1  }
0x36: {  	v4 =	vadd.s32 v1, v4;
	_ =	sdelay $0x3  }
0x37: {  	s30 =	simm.s32 $0x4200  }
0x38: {  	[tilespmem:s30], [sflag:$0x1] =	stream.indirect_vreg.gather [hbm4b:s3+s24], $0x80, v4, vm0, $0xb8;
	[tilespmem:$0x18200] =	vst v63  }
0x39: {  	s31 =	simm.s32 $0x4A00;
	v3 =	vperm.xlane v3, v2  }
0x3a: {  	[tilespmem:s31], [sflag:$0x1] =	stream.indirect_vreg.gather [hbm4b:s6+s24], $0x80, v4, vm0, $0xb8;
	[tilespmem:$0x18200] =	vst v63  }
0x3b: {  	s26 =	simm.s32 $0x5200;
	v3 =	vadd.s32 v1, v3  }
0x3c: {  	[tilespmem:s26], [sflag:$0x1] =	stream.indirect_vreg.gather [hbm4b:s7+s24], $0x80, v4, vm0, $0xb8;
	[tilespmem:$0x18200] =	vst v63  }
0x3d: {  	s28 =	simm.s32 $0x5A00  }
0x3e: {  	[tilespmem:s28], [sflag:$0x1] =	stream.indirect_vreg.gather [hbm4b:s8+s24], $0x80, v4, vm0, $0xb8;
	[tilespmem:$0x18200] =	vst v63  }
0x3f: {  	s29 =	simm.s32 $0x6200  }
0x40: {  	[tilespmem:s29], [sflag:$0x1] =	stream.indirect_vreg.gather [hbm4b:s3+s24], $0x80, v3, vm0, $0xb8;
	[tilespmem:$0x18200] =	vst v63  }
0x41: {  	s30 =	simm.s32 $0x6A00  }
0x42: {  	[tilespmem:s30], [sflag:$0x1] =	stream.indirect_vreg.gather [hbm4b:s6+s24], $0x80, v3, vm0, $0xb8;
	[tilespmem:$0x18200] =	vst v63  }
0x43: {  	s31 =	simm.s32 $0x7200  }
0x44: {  	[tilespmem:s31], [sflag:$0x1] =	stream.indirect_vreg.gather [hbm4b:s7+s24], $0x80, v3, vm0, $0xb8;
	[tilespmem:$0x18200] =	vst v63  }
0x45: {  	s26 =	simm.s32 $0x7A00  }
0x46: {  	[tilespmem:s26], [sflag:$0x1] =	stream.indirect_vreg.gather [hbm4b:s8+s24], $0x80, v3, vm0, $0xb8;
	[tilespmem:$0x18200] =	vst v63  }
0x47: {  	v3 =	vld [tilespmem:s25+$0x100];
	_ =	sdelay $0x4  }
0x48: {  	v62 =	vshll.u32 v3, $0x3  }
0x49: {  	v3 =	vand.u32 $0x7, v3;
	v4 =	vand.u32 $0xFFFFFFC0, v62  }
0x4a: {  	v3 =	vor.u32 v3, v4  }
0x4b: {  	v4 =	vperm.xlane v3, v0;
	_ =	sdelay $0x1  }
0x4c: {  	v4 =	vadd.s32 v1, v4;
	_ =	sdelay $0x3  }
0x4d: {  	s28 =	simm.s32 $0x8200  }
0x4e: {  	[tilespmem:s28], [sflag:$0x2] =	stream.indirect_vreg.gather [hbm4b:s3+s24], $0x80, v4, vm0, $0xb8;
	[tilespmem:$0x18200] =	vst v63  }
0x4f: {  	s29 =	simm.s32 $0x8A00;
	v3 =	vperm.xlane v3, v2  }
0x50: {  	[tilespmem:s29], [sflag:$0x2] =	stream.indirect_vreg.gather [hbm4b:s6+s24], $0x80, v4, vm0, $0xb8;
	[tilespmem:$0x18200] =	vst v63  }
0x51: {  	s30 =	simm.s32 $0x9200;
	v3 =	vadd.s32 v1, v3  }
0x52: {  	[tilespmem:s30], [sflag:$0x2] =	stream.indirect_vreg.gather [hbm4b:s7+s24], $0x80, v4, vm0, $0xb8;
	[tilespmem:$0x18200] =	vst v63  }
0x53: {  	s31 =	simm.s32 $0x9A00  }
0x54: {  	[tilespmem:s31], [sflag:$0x2] =	stream.indirect_vreg.gather [hbm4b:s8+s24], $0x80, v4, vm0, $0xb8;
	[tilespmem:$0x18200] =	vst v63  }
0x55: {  	_ = 	snop  }
0x56: {  	[tilespmem:s12], [sflag:$0x2] =	stream.indirect_vreg.gather [hbm4b:s3+s24], $0x80, v3, vm0, $0xb8;
	[tilespmem:$0x18200] =	vst v63  }
0x57: {  	_ = 	snop  }
0x58: {  	[tilespmem:s4], [sflag:$0x2] =	stream.indirect_vreg.gather [hbm4b:s6+s24], $0x80, v3, vm0, $0xb8;
	[tilespmem:$0x18200] =	vst v63  }
0x59: {  	_ = 	snop  }
0x5a: {  	[tilespmem:s5], [sflag:$0x2] =	stream.indirect_vreg.gather [hbm4b:s7+s24], $0x80, v3, vm0, $0xb8;
	[tilespmem:$0x18200] =	vst v63  }
0x5b: {  	_ = 	snop  }
0x5c: {  	[tilespmem:s10], [sflag:$0x2] =	stream.indirect_vreg.gather [hbm4b:s8+s24], $0x80, v3, vm0, $0xb8;
	[tilespmem:$0x18200] =	vst v63  }
0x5d: {  	v3 =	vld [tilespmem:s25+$0x110];
	_ =	sdelay $0x4  }
0x5e: {  	v63 =	vshll.u32 v3, $0x3  }
0x5f: {  	v3 =	vand.u32 $0x7, v3;
	v4 =	vand.u32 $0xFFFFFFC0, v63  }
0x60: {  	v3 =	vor.u32 v3, v4  }
0x61: {  	v4 =	vperm.xlane v3, v0;
	_ =	sdelay $0x1  }
0x62: {  	v4 =	vadd.s32 v1, v4;
	_ =	sdelay $0x4  }
0x63: {  	[tilespmem:s2], [sflag:$0x2] =	stream.indirect_vreg.gather [hbm4b:s3+s24], $0x80, v4, vm0, $0xb8;
	[tilespmem:$0x18200] =	vst v63  }
0x64: {  	v3 =	vperm.xlane v3, v2  }
0x65: {  	[tilespmem:s13], [sflag:$0x2] =	stream.indirect_vreg.gather [hbm4b:s6+s24], $0x80, v4, vm0, $0xb8;
	[tilespmem:$0x18200] =	vst v63  }
0x66: {  	v3 =	vadd.s32 v1, v3  }
0x67: {  	[tilespmem:s14], [sflag:$0x2] =	stream.indirect_vreg.gather [hbm4b:s7+s24], $0x80, v4, vm0, $0xb8;
	[tilespmem:$0x18200] =	vst v63  }
0x68: {  	_ = 	snop  }
0x69: {  	[tilespmem:s15], [sflag:$0x2] =	stream.indirect_vreg.gather [hbm4b:s8+s24], $0x80, v4, vm0, $0xb8;
	[tilespmem:$0x18200] =	vst v63  }
0x6a: {  	_ = 	snop  }
0x6b: {  	[tilespmem:s16], [sflag:$0x2] =	stream.indirect_vreg.gather [hbm4b:s3+s24], $0x80, v3, vm0, $0xb8;
	[tilespmem:$0x18200] =	vst v63  }
0x6c: {  	_ = 	snop  }
0x6d: {  	[tilespmem:s17], [sflag:$0x2] =	stream.indirect_vreg.gather [hbm4b:s6+s24], $0x80, v3, vm0, $0xb8;
	[tilespmem:$0x18200] =	vst v63  }
0x6e: {  	_ = 	snop  }
0x6f: {  	[tilespmem:s18], [sflag:$0x2] =	stream.indirect_vreg.gather [hbm4b:s7+s24], $0x80, v3, vm0, $0xb8;
	[tilespmem:$0x18200] =	vst v63  }
0x70: {  	_ = 	snop  }
0x71: {  	[tilespmem:s19], [sflag:$0x2] =	stream.indirect_vreg.gather [hbm4b:s8+s24], $0x80, v3, vm0, $0xb8;
	[tilespmem:$0x18200] =	vst v63  }
0x72: {  	_ =	swait.ge [sflag:s20], $0x8000  }
0x73: {  	[sflag:s20] =	ssyncset.done $0x0  }
0x74: {  	[sflag:s20] =	ssyncadd.s32 $0xFFFF8000  }
0x75: {  	_ =	swait.ge [sflag:s21], $0x8000  }
0x76: {  	[sflag:s21] =	ssyncset.done $0x0  }
0x77: {  	p1 =	por p0, p0;
	s25 =	simm.s32 $0x0;
	[sflag:s21] =	ssyncadd.s32 $0xFFFF8000  }
.LBB2_3:
0x78: {  	s26 =	sshll.u32 s25, $0xA;
	s28 =	sshll.u32 s25, $0x7  }
0x79: {  	s26 =	sand.u32 $0x6000, s26;
	s28 =	sand.u32 $0x380, s28  }
0x7a: {  	s26 =	sor.u32 s26, s28;
	s28 =	sand.u32 $0x1C00, s24  }
0x7b: {  	s29 =	sand.u32 $0x70, s24;
	s28 =	sor.u32 s28, s26  }
0x7c: {  	s28 =	sor.u32 s29, s28  }
0x7d: {  	v3 =	vld [tilespmem:s28+$0x200]  }
0x7e: {  	v4 =	vld [tilespmem:s28+$0x8200]  }
0x7f: {  	s30 =	simm.s32 $0x80;
	s29 =	simm.s32 $0x10  }
.LBB2_4:
0x80: {  	s31 =	sand.u32 $0x70, s29;
	s1 =	sand.u32 $0x1C00, s30;
	p0 =	sne.s32 s29, $0x3F0  }
.Ltmp0:
0x81: {  	s29 =	sadd.s32 $0x10, s29;
	s1 =	sor.u32 s1, s26;
	(pc) =	sbr.rel @p0 .LBB2_4-.Ltmp0, $4  }
0x82: {  	s1 =	sor.u32 s31, s1  }
0x83: {  	v5 =	vadd.f32 v4, v3;
	v3 =	vld [tilespmem:s1+$0x200]  }
0x84: {  	v4 =	vld [tilespmem:s1+$0x8200]  }
0x85: {  	s30 =	sadd.s32 $0x80, s30;
	[tilespmem:s28+$0x10200] =	vst v5;
	s28 =	smov.u32 s1  }
0x86: {  	s25 =	sadd.s32 $0x1, s25  }
0x87: {  	p0 =	sne.s32 s25, $0x20  }
.Ltmp1:
0x88: {  	_ = 	snop;
	(pc) =	sbr.rel @p0 .LBB2_3-.Ltmp1, $3  }
0x89: {  	_ = 	snop  }
0x8a: {  	v3 =	vadd.f32 v4, v3;
	_ =	sdelay $0x1  }
0x8b: {  	[tilespmem:s28+$0x10200] =	vst v3  }
0x8c: {  	s1 =	sshll.u32 s23, $0xC  }
.Ltmp2:
0x8d: {  	s1 =	sadd.s32 s1, s9;
	(pc) =	sbr.rel @p1 .LBB2_2-.Ltmp2, $4  }
0x8e: {  	[hbm4b:s1+s0] =	stream.linear.scatter [tilespmem:s22], [sflag:$0x3], $0x8000, $0x38;
	[tilespmem:$0x18200] =	vst v63  }
0x8f: {  	_ =	swait.ge [sflag:s11], $0x8000  }
0x90: {  	[sflag:s11] =	ssyncset.done $0x0  }
0x91: {  	s23 =	simm.s32 $0x1;
	p0 =	por $0x0, $0x0;
	[sflag:s11] =	ssyncadd.s32 $0xFFFF8000  }
0x92: {  	s1 =	rddreg [dreg:$0x6]  }
0x93: {  	s0 =	rddreg [dreg:$0x5];
	s1 =	sadd.s32 $0x1, s1  }
0x94: {  	p0 =	sne.s32 s1, s0  }
.Ltmp3:
0x95: {  	_ = 	snop;
	(pc) =	sbr.rel @p0 .LBB2_1-.Ltmp3, $1  }
0x96: {  	_ =	sdelay $0x3  }
0x97: {  	_ =	sfence.sel $0x180000  }
0x98: {  	[bflag:$0x0] =	sbarrier.arrive $0xFFFF  }
0x99: {  	_ =	strace $0x9000004A  }
0x9a: {  	s0 =	stileid.u32;
	[bflag:$0x2] =	sbarrier.arrive $0xFFFF  }
0x9b: {  	p0 =	sne.s32 s0, $0x0;
	s0 =	rddreg [dreg:$0x2]  }
0x9c: {  	s0 =	sadd.s32 @!p0 $0x100000, s0  }
0x9d: {  	[sflag:s0] =	ssyncadd.tile.s32 @!p0 $0x1;
	_ =	shalt  }
.Lfunc_end2:
_tile_overlayer_lowered:
.L_overlay_start_2:
0x9e: {  	(tag) =	ssettag $0x2  }
0x9f: {  	s0 =	rddreg [dreg:$0x0];
	s2 =	stileid.u32  }
0xa0: {  	s1 =	rddreg [dreg:$0x1];
	p0 =	sne.s32 s2, $0x0  }
0xa1: {  	s3 =	rddreg [dreg:$0x2];
	[bflag:$0x3] =	sbarrier.arrive $0xFFFF;
	s2 =	simm.s32 @!p0 $0x1C03  }
0xa2: {  	[timem:s3], [sflag:s2] =	dma.local @!p0 [hbm:s0], s1  }
0xa3: {  	s0 =	simm.s32 @!p0 $0x3  }
0xa4: {  	_ =	swait.ge @!p0 [sflag:s0], s1  }
0xa5: {  	s1 =	ssub.s32 @!p0 $0x0, s1;
	[sflag:s0] =	ssyncset.done @!p0 $0x0  }
0xa6: {  	[sflag:s0] =	ssyncadd.s32 @!p0 s1  }
0xa7: {  	[bflag:$0x3] =	sbarrier.arrive $0xFFFF  }
0xa8: {  	_ =	shalt  }

</sc_bundles>
